<compile_context>
chip_gen: v7x
topology: tpu7x:2x2x1
jax: 0.10.2.dev20260603
libtpu: 0.0.44.dev20260713+nightly
codegen_flags: <defaults>
</compile_context>

<pallas_src>
import functools

import jax
import jax.numpy as jnp
from jax import lax
from jax.experimental import pallas as pl
from jax.experimental.pallas import tpu as pltpu
from jax.experimental.pallas import tpu_sc as plsc

K = 1024
DIM = 64
ROWS = 64 * 576
BLK = 3072
NBLK = ROWS // BLK

NW = 32
RPW = ROWS // NW
CHUNK = 128
NCH = RPW // CHUNK
IDX_ROWS = ROWS // CHUNK


def _dist_argmin(z_ref, cb_ref, cb2_ref, idx_ref, loss_ref):
    i = pl.program_id(0)
    zb = z_ref[...]
    cb = cb_ref[...]
    logits2 = lax.dot_general(
        cb2_ref[...], zb, (((1,), (1,)), ((), ())),
        preferred_element_type=jnp.float32)
    z2 = jnp.sum(zb * zb, axis=1)
    c2 = jnp.sum(cb * cb, axis=1)
    score = (c2[:, None] + z2[None, :]) - logits2
    colmin = jnp.min(score, axis=0, keepdims=True)
    iota_f = lax.broadcasted_iota(
        jnp.int32, score.shape, 0).astype(jnp.float32)
    idx_f = jnp.min(jnp.where(score == colmin, iota_f, jnp.float32(K)),
                    axis=0)
    idx_ref[0, 0, :] = idx_f.astype(jnp.int32)
    loss_part = jnp.sum(colmin).reshape(1, 1)

    @pl.when(i == 0)
    def _init():
        loss_ref[...] = loss_part

    @pl.when(i > 0)
    def _acc():
        loss_ref[...] += loss_part


def _sc_gather_hist(cb_hbm, idx_hbm, zeros_hbm, zq_hbm, cnt_hbm,
                    idx_v, rows_v, hist_v, cnt_v, sem):
    wid = lax.axis_index("s") * 2 + lax.axis_index("c")

    pltpu.sync_copy(idx_hbm.at[wid], idx_v)
    copies = [
        pltpu.async_copy(cb_hbm.at[idx_v.at[j]],
                         rows_v.at[pl.ds(j * CHUNK, CHUNK)], sem)
        for j in range(NCH)
    ]

    pltpu.sync_copy(zeros_hbm, hist_v)

    lane_base = lax.broadcasted_iota(jnp.int32, (16,), 0) * K
    ones16 = jnp.ones((16,), jnp.float32)
    for t in range(RPW // 16):
        iv = idx_v[t // 8, pl.ds((t % 8) * 16, 16)]
        plsc.addupdate_scatter(hist_v, [lane_base + iv], ones16)

    def _reduce(c, carry):
        acc = hist_v[pl.ds(c * 16, 16)]
        for lane in range(1, 16):
            acc = acc + hist_v[pl.ds(lane * K + c * 16, 16)]
        cnt_v[pl.ds(c * 16, 16)] = acc
        return carry

    lax.fori_loop(0, K // 16, _reduce, 0)
    pltpu.sync_copy(cnt_v, cnt_hbm.at[pl.ds(wid * K, K)])

    for c in copies:
        c.wait()
    pltpu.sync_copy(rows_v, zq_hbm.at[pl.ds(wid * RPW, RPW)])


_sc_kernel = functools.partial(
    pl.kernel,
    mesh=plsc.VectorSubcoreMesh(
        core_axis_name="c", subcore_axis_name="s",
        num_cores=2, num_subcores=16),
    out_type=[
        jax.ShapeDtypeStruct((ROWS, DIM), jnp.float32),
        jax.ShapeDtypeStruct((NW * K,), jnp.float32),
    ],
    scratch_types=[
        pltpu.VMEM((NCH, CHUNK), jnp.int32),
        pltpu.VMEM((RPW, DIM), jnp.float32),
        pltpu.VMEM((16 * K,), jnp.float32),
        pltpu.VMEM((K,), jnp.float32),
        pltpu.SemaphoreType.DMA,
    ],
    compiler_params=pltpu.CompilerParams(
        needs_layout_passes=False, use_tc_tiling_on_sc=False),
)(_sc_gather_hist)


def kernel(z, codebook):
    z_flat = z.reshape(ROWS, DIM)
    idx3, loss = pl.pallas_call(
        _dist_argmin,
        grid=(NBLK,),
        in_specs=[
            pl.BlockSpec((BLK, DIM), lambda i: (i, 0)),
            pl.BlockSpec((K, DIM), lambda i: (0, 0)),
            pl.BlockSpec((K, DIM), lambda i: (0, 0)),
        ],
        out_specs=[
            pl.BlockSpec((1, 1, BLK), lambda i: (i, 0, 0)),
            pl.BlockSpec((1, 1), lambda i: (0, 0)),
        ],
        out_shape=[
            jax.ShapeDtypeStruct((NBLK, 1, BLK), jnp.int32),
            jax.ShapeDtypeStruct((1, 1), jnp.float32),
        ],
    )(z_flat, codebook, codebook + codebook)
    indices = idx3.reshape(z.shape[:-1])
    idx_w = idx3.reshape(NW, NCH, CHUNK)
    zq, counts = _sc_kernel(codebook, idx_w, jnp.zeros((16 * K,), jnp.float32))
    z_q_st = zq.reshape(z.shape)
    loss_scalar = loss[0, 0] / jnp.float32(ROWS * DIM)
    usage = jnp.sum(counts.reshape(NW, K), axis=0) / jnp.float32(ROWS)
    return (z_q_st, indices, loss_scalar, loss_scalar, usage)

# --- scband reference (transcript-rebuilt; emitter-appended) ---
"""Pipeline reference for scband-emaquantiser-78417512890961 (READ-ONLY COPY).

The authoritative reference and input builder live on the scoring server;
editing this copy changes nothing except your own understanding.
"""

import jax, jax.numpy as jnp
import numpy as np

K = 1024
DIM = 64

def setup_inputs(seed: int = 0) -> dict:
    key = jax.random.key(seed)
    k1, k2 = jax.random.split(key)
    z = jax.random.normal(k1, (64, 576, DIM), dtype=jnp.float32)
    codebook = jax.random.normal(k2, (K, DIM), dtype=jnp.float32) * 0.02
    return {"z": z, "codebook": codebook}

def reference(z, codebook):
    k = codebook.shape[0]
    z_flat = z.reshape(-1, z.shape[-1])
    z2 = jnp.sum(z_flat ** 2, axis=1, keepdims=True)
    c2 = jnp.sum(codebook ** 2, axis=1)
    logits = z_flat @ codebook.T
    dist = z2 + c2[None, :] - 2.0 * logits
    indices = jnp.argmin(dist, axis=1)
    z_q = jnp.take(codebook, indices, axis=0).reshape(z.shape)
    z_q_st = z + jax.lax.stop_gradient(z_q - z)
    loss_commit = jnp.mean((jax.lax.stop_gradient(z_q) - z) ** 2)
    loss_embed = jnp.mean((z_q - jax.lax.stop_gradient(z)) ** 2)
    usage = jnp.bincount(indices, length=k).astype(z.dtype)
    total = jnp.sum(usage)
    usage = jnp.where(total > 0, usage / jnp.maximum(total, 1.0), usage)
    return (z_q_st, indices.reshape(z.shape[:-1]), loss_commit, loss_embed, usage)

if __name__ == "__main__":
    import jax
    _d = setup_inputs()
    print(jax.jit(kernel)(*tuple(_d.values())))

</pallas_src>

<mosaic_0001>
#map = affine_map<(d0, d1) -> (0, 0)>
#map1 = affine_map<(d0, d1) -> (0, 0, 0)>
#map2 = affine_map<(d0, d1) -> (0)>
module attributes {stable_mosaic.version = 14 : i64} {
  func.func @_sc_gather_hist(%arg0: i32, %arg1: i32, %arg2: memref<1024x64xf32, #tpu.memory_space<hbm>>, %arg3: memref<32x9x128xi32, #tpu.memory_space<hbm>>, %arg4: memref<16384xf32, #tpu.memory_space<hbm>>, %arg5: memref<36864x64xf32, #tpu.memory_space<hbm>>, %arg6: memref<32768xf32, #tpu.memory_space<hbm>>, %arg7: memref<9x128xi32, #tpu.memory_space<vmem>>, %arg8: memref<1152x64xf32, #tpu.memory_space<vmem>>, %arg9: memref<16384xf32, #tpu.memory_space<vmem>>, %arg10: memref<1024xf32, #tpu.memory_space<vmem>>, %arg11: memref<!tpu.dma_semaphore, #tpu.memory_space<semaphore_mem>>) attributes {dimension_semantics = [#tpu.dimension_semantics<core_parallel>, #tpu.dimension_semantics<subcore_parallel>], iteration_bounds = array<i64: 2, 16>, scalar_prefetch = 0 : i64, scratch_operands = 5 : i64, tpu.core_type = #tpu.core_type<sc_vector_subcore>, window_params = [{transform_indices = #map}, {transform_indices = #map1}, {transform_indices = #map2}, {transform_indices = #map}, {transform_indices = #map2}]} {
    %mul3A = arith.constant 2 : i32
    %mul3A_0 = arith.muli %arg1, %mul3A : i32
    %add3A = arith.addi %mul3A_0, %arg0 : i32
    "tpu.region"() ({
      %run_scoped3A = tpu.sem_alloc : memref<!tpu.dma_semaphore, #tpu.memory_space<semaphore_mem>>
      %dma_start3A_551 = arith.constant 0 : i32
      %dma_start3A_552 = arith.constant 0 : i32
      %dma_start3A_553 = tpu.memref_slice %arg3[%add3A, %dma_start3A_551, %dma_start3A_552] : memref<32x9x128xi32, #tpu.memory_space<hbm>> -> memref<1x9x128xi32, #tpu.memory_space<hbm>>
      %dma_start3A_554 = tpu.memref_squeeze %dma_start3A_553 : memref<1x9x128xi32, #tpu.memory_space<hbm>> -> memref<9x128xi32, #tpu.memory_space<hbm>>
      %dma_start3A_555 = arith.constant 0 : i32
      %dma_start3A_556 = arith.constant 0 : i32
      %dma_start3A_557 = tpu.memref_slice %arg3[%add3A, %dma_start3A_555, %dma_start3A_556] : memref<32x9x128xi32, #tpu.memory_space<hbm>> -> memref<1x9x128xi32, #tpu.memory_space<hbm>>
      %dma_start3A_558 = tpu.memref_squeeze %dma_start3A_557 : memref<1x9x128xi32, #tpu.memory_space<hbm>> -> memref<9x128xi32, #tpu.memory_space<hbm>>
      tpu.enqueue_dma source(%dma_start3A_558 : memref<9x128xi32, #tpu.memory_space<hbm>>) target(%arg7 : memref<9x128xi32, #tpu.memory_space<vmem>>) target_semaphore(%run_scoped3A : memref<!tpu.dma_semaphore, #tpu.memory_space<semaphore_mem>>)
      %dma_wait3A_559 = arith.constant 0 : i32
      %dma_wait3A_560 = arith.constant 0 : i32
      %dma_wait3A_561 = tpu.memref_slice %arg3[%add3A, %dma_wait3A_559, %dma_wait3A_560] : memref<32x9x128xi32, #tpu.memory_space<hbm>> -> memref<1x9x128xi32, #tpu.memory_space<hbm>>
      %dma_wait3A_562 = tpu.memref_squeeze %dma_wait3A_561 : memref<1x9x128xi32, #tpu.memory_space<hbm>> -> memref<9x128xi32, #tpu.memory_space<hbm>>
      %dma_wait3A_563 = arith.constant 0 : i32
      %dma_wait3A_564 = arith.constant 0 : i32
      %dma_wait3A_565 = tpu.memref_slice %arg3[%add3A, %dma_wait3A_563, %dma_wait3A_564] : memref<32x9x128xi32, #tpu.memory_space<hbm>> -> memref<1x9x128xi32, #tpu.memory_space<hbm>>
      %dma_wait3A_566 = tpu.memref_squeeze %dma_wait3A_565 : memref<1x9x128xi32, #tpu.memory_space<hbm>> -> memref<9x128xi32, #tpu.memory_space<hbm>>
      tpu.wait_dma2 semaphore(%run_scoped3A : memref<!tpu.dma_semaphore, #tpu.memory_space<semaphore_mem>>) src(%dma_wait3A_566 : memref<9x128xi32, #tpu.memory_space<hbm>>) dst(%arg7 : memref<9x128xi32, #tpu.memory_space<vmem>>)
      tpu.yield
    }) : () -> ()
    %dma_start3A = arith.constant 0 : i32
    %dma_start3A_1 = arith.constant 0 : i32
    %dma_start3A_2 = arith.constant 0 : i32
    %dma_start3A_3 = tpu.memref_slice %arg8[%dma_start3A_1, %dma_start3A_2] : memref<1152x64xf32, #tpu.memory_space<vmem>> -> memref<128x64xf32, #tpu.memory_space<vmem>>
    %dma_start3A_4 = arith.constant 0 : i32
    %dma_start3A_5 = tpu.memref_slice %arg7[%dma_start3A, %dma_start3A_4] : memref<9x128xi32, #tpu.memory_space<vmem>> -> memref<1x128xi32, #tpu.memory_space<vmem>>
    %dma_start3A_6 = tpu.memref_squeeze %dma_start3A_5 : memref<1x128xi32, #tpu.memory_space<vmem>> -> memref<128xi32, #tpu.memory_space<vmem>>
    %dma_start3A_7 = arith.constant 0 : i32
    %dma_start3A_8 = arith.constant 0 : i32
    %dma_start3A_9 = tpu.memref_slice %arg2[%dma_start3A_7, %dma_start3A_8] : memref<1024x64xf32, #tpu.memory_space<hbm>> -> memref<1024x64xf32, #tpu.memory_space<hbm>>
    tpu.enqueue_indirect_dma source(%dma_start3A_9 : memref<1024x64xf32, #tpu.memory_space<hbm>>) target(%dma_start3A_3 : memref<128x64xf32, #tpu.memory_space<vmem>>) offsets(%dma_start3A_6 : memref<128xi32, #tpu.memory_space<vmem>>) semaphore(%arg11 : memref<!tpu.dma_semaphore, #tpu.memory_space<semaphore_mem>>)
    %dma_start3A_10 = arith.constant 1 : i32
    %dma_start3A_11 = arith.constant 128 : i32
    %dma_start3A_12 = arith.constant 0 : i32
    %dma_start3A_13 = tpu.memref_slice %arg8[%dma_start3A_11, %dma_start3A_12] : memref<1152x64xf32, #tpu.memory_space<vmem>> -> memref<128x64xf32, #tpu.memory_space<vmem>>
    %dma_start3A_14 = arith.constant 0 : i32
    %dma_start3A_15 = tpu.memref_slice %arg7[%dma_start3A_10, %dma_start3A_14] : memref<9x128xi32, #tpu.memory_space<vmem>> -> memref<1x128xi32, #tpu.memory_space<vmem>>
    %dma_start3A_16 = tpu.memref_squeeze %dma_start3A_15 : memref<1x128xi32, #tpu.memory_space<vmem>> -> memref<128xi32, #tpu.memory_space<vmem>>
    %dma_start3A_17 = arith.constant 0 : i32
    %dma_start3A_18 = arith.constant 0 : i32
    %dma_start3A_19 = tpu.memref_slice %arg2[%dma_start3A_17, %dma_start3A_18] : memref<1024x64xf32, #tpu.memory_space<hbm>> -> memref<1024x64xf32, #tpu.memory_space<hbm>>
    tpu.enqueue_indirect_dma source(%dma_start3A_19 : memref<1024x64xf32, #tpu.memory_space<hbm>>) target(%dma_start3A_13 : memref<128x64xf32, #tpu.memory_space<vmem>>) offsets(%dma_start3A_16 : memref<128xi32, #tpu.memory_space<vmem>>) semaphore(%arg11 : memref<!tpu.dma_semaphore, #tpu.memory_space<semaphore_mem>>)
    %dma_start3A_20 = arith.constant 2 : i32
    %dma_start3A_21 = arith.constant 256 : i32
    %dma_start3A_22 = arith.constant 0 : i32
    %dma_start3A_23 = tpu.memref_slice %arg8[%dma_start3A_21, %dma_start3A_22] : memref<1152x64xf32, #tpu.memory_space<vmem>> -> memref<128x64xf32, #tpu.memory_space<vmem>>
    %dma_start3A_24 = arith.constant 0 : i32
    %dma_start3A_25 = tpu.memref_slice %arg7[%dma_start3A_20, %dma_start3A_24] : memref<9x128xi32, #tpu.memory_space<vmem>> -> memref<1x128xi32, #tpu.memory_space<vmem>>
    %dma_start3A_26 = tpu.memref_squeeze %dma_start3A_25 : memref<1x128xi32, #tpu.memory_space<vmem>> -> memref<128xi32, #tpu.memory_space<vmem>>
    %dma_start3A_27 = arith.constant 0 : i32
    %dma_start3A_28 = arith.constant 0 : i32
    %dma_start3A_29 = tpu.memref_slice %arg2[%dma_start3A_27, %dma_start3A_28] : memref<1024x64xf32, #tpu.memory_space<hbm>> -> memref<1024x64xf32, #tpu.memory_space<hbm>>
    tpu.enqueue_indirect_dma source(%dma_start3A_29 : memref<1024x64xf32, #tpu.memory_space<hbm>>) target(%dma_start3A_23 : memref<128x64xf32, #tpu.memory_space<vmem>>) offsets(%dma_start3A_26 : memref<128xi32, #tpu.memory_space<vmem>>) semaphore(%arg11 : memref<!tpu.dma_semaphore, #tpu.memory_space<semaphore_mem>>)
    %dma_start3A_30 = arith.constant 3 : i32
    %dma_start3A_31 = arith.constant 384 : i32
    %dma_start3A_32 = arith.constant 0 : i32
    %dma_start3A_33 = tpu.memref_slice %arg8[%dma_start3A_31, %dma_start3A_32] : memref<1152x64xf32, #tpu.memory_space<vmem>> -> memref<128x64xf32, #tpu.memory_space<vmem>>
    %dma_start3A_34 = arith.constant 0 : i32
    %dma_start3A_35 = tpu.memref_slice %arg7[%dma_start3A_30, %dma_start3A_34] : memref<9x128xi32, #tpu.memory_space<vmem>> -> memref<1x128xi32, #tpu.memory_space<vmem>>
    %dma_start3A_36 = tpu.memref_squeeze %dma_start3A_35 : memref<1x128xi32, #tpu.memory_space<vmem>> -> memref<128xi32, #tpu.memory_space<vmem>>
    %dma_start3A_37 = arith.constant 0 : i32
    %dma_start3A_38 = arith.constant 0 : i32
    %dma_start3A_39 = tpu.memref_slice %arg2[%dma_start3A_37, %dma_start3A_38] : memref<1024x64xf32, #tpu.memory_space<hbm>> -> memref<1024x64xf32, #tpu.memory_space<hbm>>
    tpu.enqueue_indirect_dma source(%dma_start3A_39 : memref<1024x64xf32, #tpu.memory_space<hbm>>) target(%dma_start3A_33 : memref<128x64xf32, #tpu.memory_space<vmem>>) offsets(%dma_start3A_36 : memref<128xi32, #tpu.memory_space<vmem>>) semaphore(%arg11 : memref<!tpu.dma_semaphore, #tpu.memory_space<semaphore_mem>>)
    %dma_start3A_40 = arith.constant 4 : i32
    %dma_start3A_41 = arith.constant 512 : i32
    %dma_start3A_42 = arith.constant 0 : i32
    %dma_start3A_43 = tpu.memref_slice %arg8[%dma_start3A_41, %dma_start3A_42] : memref<1152x64xf32, #tpu.memory_space<vmem>> -> memref<128x64xf32, #tpu.memory_space<vmem>>
    %dma_start3A_44 = arith.constant 0 : i32
    %dma_start3A_45 = tpu.memref_slice %arg7[%dma_start3A_40, %dma_start3A_44] : memref<9x128xi32, #tpu.memory_space<vmem>> -> memref<1x128xi32, #tpu.memory_space<vmem>>
    %dma_start3A_46 = tpu.memref_squeeze %dma_start3A_45 : memref<1x128xi32, #tpu.memory_space<vmem>> -> memref<128xi32, #tpu.memory_space<vmem>>
    %dma_start3A_47 = arith.constant 0 : i32
    %dma_start3A_48 = arith.constant 0 : i32
    %dma_start3A_49 = tpu.memref_slice %arg2[%dma_start3A_47, %dma_start3A_48] : memref<1024x64xf32, #tpu.memory_space<hbm>> -> memref<1024x64xf32, #tpu.memory_space<hbm>>
    tpu.enqueue_indirect_dma source(%dma_start3A_49 : memref<1024x64xf32, #tpu.memory_space<hbm>>) target(%dma_start3A_43 : memref<128x64xf32, #tpu.memory_space<vmem>>) offsets(%dma_start3A_46 : memref<128xi32, #tpu.memory_space<vmem>>) semaphore(%arg11 : memref<!tpu.dma_semaphore, #tpu.memory_space<semaphore_mem>>)
    %dma_start3A_50 = arith.constant 5 : i32
    %dma_start3A_51 = arith.constant 640 : i32
    %dma_start3A_52 = arith.constant 0 : i32
    %dma_start3A_53 = tpu.memref_slice %arg8[%dma_start3A_51, %dma_start3A_52] : memref<1152x64xf32, #tpu.memory_space<vmem>> -> memref<128x64xf32, #tpu.memory_space<vmem>>
    %dma_start3A_54 = arith.constant 0 : i32
    %dma_start3A_55 = tpu.memref_slice %arg7[%dma_start3A_50, %dma_start3A_54] : memref<9x128xi32, #tpu.memory_space<vmem>> -> memref<1x128xi32, #tpu.memory_space<vmem>>
    %dma_start3A_56 = tpu.memref_squeeze %dma_start3A_55 : memref<1x128xi32, #tpu.memory_space<vmem>> -> memref<128xi32, #tpu.memory_space<vmem>>
    %dma_start3A_57 = arith.constant 0 : i32
    %dma_start3A_58 = arith.constant 0 : i32
    %dma_start3A_59 = tpu.memref_slice %arg2[%dma_start3A_57, %dma_start3A_58] : memref<1024x64xf32, #tpu.memory_space<hbm>> -> memref<1024x64xf32, #tpu.memory_space<hbm>>
    tpu.enqueue_indirect_dma source(%dma_start3A_59 : memref<1024x64xf32, #tpu.memory_space<hbm>>) target(%dma_start3A_53 : memref<128x64xf32, #tpu.memory_space<vmem>>) offsets(%dma_start3A_56 : memref<128xi32, #tpu.memory_space<vmem>>) semaphore(%arg11 : memref<!tpu.dma_semaphore, #tpu.memory_space<semaphore_mem>>)
    %dma_start3A_60 = arith.constant 6 : i32
    %dma_start3A_61 = arith.constant 768 : i32
    %dma_start3A_62 = arith.constant 0 : i32
    %dma_start3A_63 = tpu.memref_slice %arg8[%dma_start3A_61, %dma_start3A_62] : memref<1152x64xf32, #tpu.memory_space<vmem>> -> memref<128x64xf32, #tpu.memory_space<vmem>>
    %dma_start3A_64 = arith.constant 0 : i32
    %dma_start3A_65 = tpu.memref_slice %arg7[%dma_start3A_60, %dma_start3A_64] : memref<9x128xi32, #tpu.memory_space<vmem>> -> memref<1x128xi32, #tpu.memory_space<vmem>>
    %dma_start3A_66 = tpu.memref_squeeze %dma_start3A_65 : memref<1x128xi32, #tpu.memory_space<vmem>> -> memref<128xi32, #tpu.memory_space<vmem>>
    %dma_start3A_67 = arith.constant 0 : i32
    %dma_start3A_68 = arith.constant 0 : i32
    %dma_start3A_69 = tpu.memref_slice %arg2[%dma_start3A_67, %dma_start3A_68] : memref<1024x64xf32, #tpu.memory_space<hbm>> -> memref<1024x64xf32, #tpu.memory_space<hbm>>
    tpu.enqueue_indirect_dma source(%dma_start3A_69 : memref<1024x64xf32, #tpu.memory_space<hbm>>) target(%dma_start3A_63 : memref<128x64xf32, #tpu.memory_space<vmem>>) offsets(%dma_start3A_66 : memref<128xi32, #tpu.memory_space<vmem>>) semaphore(%arg11 : memref<!tpu.dma_semaphore, #tpu.memory_space<semaphore_mem>>)
    %dma_start3A_70 = arith.constant 7 : i32
    %dma_start3A_71 = arith.constant 896 : i32
    %dma_start3A_72 = arith.constant 0 : i32
    %dma_start3A_73 = tpu.memref_slice %arg8[%dma_start3A_71, %dma_start3A_72] : memref<1152x64xf32, #tpu.memory_space<vmem>> -> memref<128x64xf32, #tpu.memory_space<vmem>>
    %dma_start3A_74 = arith.constant 0 : i32
    %dma_start3A_75 = tpu.memref_slice %arg7[%dma_start3A_70, %dma_start3A_74] : memref<9x128xi32, #tpu.memory_space<vmem>> -> memref<1x128xi32, #tpu.memory_space<vmem>>
    %dma_start3A_76 = tpu.memref_squeeze %dma_start3A_75 : memref<1x128xi32, #tpu.memory_space<vmem>> -> memref<128xi32, #tpu.memory_space<vmem>>
    %dma_start3A_77 = arith.constant 0 : i32
    %dma_start3A_78 = arith.constant 0 : i32
    %dma_start3A_79 = tpu.memref_slice %arg2[%dma_start3A_77, %dma_start3A_78] : memref<1024x64xf32, #tpu.memory_space<hbm>> -> memref<1024x64xf32, #tpu.memory_space<hbm>>
    tpu.enqueue_indirect_dma source(%dma_start3A_79 : memref<1024x64xf32, #tpu.memory_space<hbm>>) target(%dma_start3A_73 : memref<128x64xf32, #tpu.memory_space<vmem>>) offsets(%dma_start3A_76 : memref<128xi32, #tpu.memory_space<vmem>>) semaphore(%arg11 : memref<!tpu.dma_semaphore, #tpu.memory_space<semaphore_mem>>)
    %dma_start3A_80 = arith.constant 8 : i32
    %dma_start3A_81 = arith.constant 1024 : i32
    %dma_start3A_82 = arith.constant 0 : i32
    %dma_start3A_83 = tpu.memref_slice %arg8[%dma_start3A_81, %dma_start3A_82] : memref<1152x64xf32, #tpu.memory_space<vmem>> -> memref<128x64xf32, #tpu.memory_space<vmem>>
    %dma_start3A_84 = arith.constant 0 : i32
    %dma_start3A_85 = tpu.memref_slice %arg7[%dma_start3A_80, %dma_start3A_84] : memref<9x128xi32, #tpu.memory_space<vmem>> -> memref<1x128xi32, #tpu.memory_space<vmem>>
    %dma_start3A_86 = tpu.memref_squeeze %dma_start3A_85 : memref<1x128xi32, #tpu.memory_space<vmem>> -> memref<128xi32, #tpu.memory_space<vmem>>
    %dma_start3A_87 = arith.constant 0 : i32
    %dma_start3A_88 = arith.constant 0 : i32
    %dma_start3A_89 = tpu.memref_slice %arg2[%dma_start3A_87, %dma_start3A_88] : memref<1024x64xf32, #tpu.memory_space<hbm>> -> memref<1024x64xf32, #tpu.memory_space<hbm>>
    tpu.enqueue_indirect_dma source(%dma_start3A_89 : memref<1024x64xf32, #tpu.memory_space<hbm>>) target(%dma_start3A_83 : memref<128x64xf32, #tpu.memory_space<vmem>>) offsets(%dma_start3A_86 : memref<128xi32, #tpu.memory_space<vmem>>) semaphore(%arg11 : memref<!tpu.dma_semaphore, #tpu.memory_space<semaphore_mem>>)
    "tpu.region"() ({
      %run_scoped3A = tpu.sem_alloc : memref<!tpu.dma_semaphore, #tpu.memory_space<semaphore_mem>>
      tpu.enqueue_dma source(%arg4 : memref<16384xf32, #tpu.memory_space<hbm>>) target(%arg9 : memref<16384xf32, #tpu.memory_space<vmem>>) target_semaphore(%run_scoped3A : memref<!tpu.dma_semaphore, #tpu.memory_space<semaphore_mem>>)
      tpu.wait_dma2 semaphore(%run_scoped3A : memref<!tpu.dma_semaphore, #tpu.memory_space<semaphore_mem>>) src(%arg4 : memref<16384xf32, #tpu.memory_space<hbm>>) dst(%arg9 : memref<16384xf32, #tpu.memory_space<vmem>>)
      tpu.yield
    }) : () -> ()
    %iota3A = tpu.iota {dimensions = array<i32: 0>} : vector<16xi32>
    %mul3A_90 = arith.constant 1024 : i32
    %mul3A_91 = vector.broadcast %mul3A_90 : i32 to vector<16xi32>
    %mul3A_92 = arith.muli %iota3A, %mul3A_91 : vector<16xi32>
    %broadcast_in_dim3A = arith.constant 1.000000e+00 : f32
    %broadcast_in_dim3A_93 = vector.broadcast %broadcast_in_dim3A : f32 to vector<16xf32>
    %get3A = arith.constant 0 : i32
    %get3A_94 = arith.index_cast %get3A : i32 to index
    %get3A_95 = arith.constant 0 : index
    %get3A_96 = tpu.vector_load %arg7[%get3A_94, %get3A_95] {strides = array<i32>} : memref<9x128xi32, #tpu.memory_space<vmem>>, vector<16xi32>,
    %add3A_97 = arith.addi %mul3A_92, %get3A_96 : vector<16xi32>
    tpu.vector_store_idx %arg9[%add3A_97], %broadcast_in_dim3A_93 {add = true} : memref<16384xf32, #tpu.memory_space<vmem>>[vector<16xi32>], vector<16xf32>,
    %get3A_98 = arith.constant 0 : i32
    %get3A_99 = arith.index_cast %get3A_98 : i32 to index
    %get3A_100 = arith.constant 16 : index
    %get3A_101 = tpu.vector_load %arg7[%get3A_99, %get3A_100] {strides = array<i32>} : memref<9x128xi32, #tpu.memory_space<vmem>>, vector<16xi32>,
    %add3A_102 = arith.addi %mul3A_92, %get3A_101 : vector<16xi32>
    tpu.vector_store_idx %arg9[%add3A_102], %broadcast_in_dim3A_93 {add = true} : memref<16384xf32, #tpu.memory_space<vmem>>[vector<16xi32>], vector<16xf32>,
    %get3A_103 = arith.constant 0 : i32
    %get3A_104 = arith.index_cast %get3A_103 : i32 to index
    %get3A_105 = arith.constant 32 : index
    %get3A_106 = tpu.vector_load %arg7[%get3A_104, %get3A_105] {strides = array<i32>} : memref<9x128xi32, #tpu.memory_space<vmem>>, vector<16xi32>,
    %add3A_107 = arith.addi %mul3A_92, %get3A_106 : vector<16xi32>
    tpu.vector_store_idx %arg9[%add3A_107], %broadcast_in_dim3A_93 {add = true} : memref<16384xf32, #tpu.memory_space<vmem>>[vector<16xi32>], vector<16xf32>,
    %get3A_108 = arith.constant 0 : i32
    %get3A_109 = arith.index_cast %get3A_108 : i32 to index
    %get3A_110 = arith.constant 48 : index
    %get3A_111 = tpu.vector_load %arg7[%get3A_109, %get3A_110] {strides = array<i32>} : memref<9x128xi32, #tpu.memory_space<vmem>>, vector<16xi32>,
    %add3A_112 = arith.addi %mul3A_92, %get3A_111 : vector<16xi32>
    tpu.vector_store_idx %arg9[%add3A_112], %broadcast_in_dim3A_93 {add = true} : memref<16384xf32, #tpu.memory_space<vmem>>[vector<16xi32>], vector<16xf32>,
    %get3A_113 = arith.constant 0 : i32
    %get3A_114 = arith.index_cast %get3A_113 : i32 to index
    %get3A_115 = arith.constant 64 : index
    %get3A_116 = tpu.vector_load %arg7[%get3A_114, %get3A_115] {strides = array<i32>} : memref<9x128xi32, #tpu.memory_space<vmem>>, vector<16xi32>,
    %add3A_117 = arith.addi %mul3A_92, %get3A_116 : vector<16xi32>
    tpu.vector_store_idx %arg9[%add3A_117], %broadcast_in_dim3A_93 {add = true} : memref<16384xf32, #tpu.memory_space<vmem>>[vector<16xi32>], vector<16xf32>,
    %get3A_118 = arith.constant 0 : i32
    %get3A_119 = arith.index_cast %get3A_118 : i32 to index
    %get3A_120 = arith.constant 80 : index
    %get3A_121 = tpu.vector_load %arg7[%get3A_119, %get3A_120] {strides = array<i32>} : memref<9x128xi32, #tpu.memory_space<vmem>>, vector<16xi32>,
    %add3A_122 = arith.addi %mul3A_92, %get3A_121 : vector<16xi32>
    tpu.vector_store_idx %arg9[%add3A_122], %broadcast_in_dim3A_93 {add = true} : memref<16384xf32, #tpu.memory_space<vmem>>[vector<16xi32>], vector<16xf32>,
    %get3A_123 = arith.constant 0 : i32
    %get3A_124 = arith.index_cast %get3A_123 : i32 to index
    %get3A_125 = arith.constant 96 : index
    %get3A_126 = tpu.vector_load %arg7[%get3A_124, %get3A_125] {strides = array<i32>} : memref<9x128xi32, #tpu.memory_space<vmem>>, vector<16xi32>,
    %add3A_127 = arith.addi %mul3A_92, %get3A_126 : vector<16xi32>
    tpu.vector_store_idx %arg9[%add3A_127], %broadcast_in_dim3A_93 {add = true} : memref<16384xf32, #tpu.memory_space<vmem>>[vector<16xi32>], vector<16xf32>,
    %get3A_128 = arith.constant 0 : i32
    %get3A_129 = arith.index_cast %get3A_128 : i32 to index
    %get3A_130 = arith.constant 112 : index
    %get3A_131 = tpu.vector_load %arg7[%get3A_129, %get3A_130] {strides = array<i32>} : memref<9x128xi32, #tpu.memory_space<vmem>>, vector<16xi32>,
    %add3A_132 = arith.addi %mul3A_92, %get3A_131 : vector<16xi32>
    tpu.vector_store_idx %arg9[%add3A_132], %broadcast_in_dim3A_93 {add = true} : memref<16384xf32, #tpu.memory_space<vmem>>[vector<16xi32>], vector<16xf32>,
    %get3A_133 = arith.constant 1 : i32
    %get3A_134 = arith.index_cast %get3A_133 : i32 to index
    %get3A_135 = arith.constant 0 : index
    %get3A_136 = tpu.vector_load %arg7[%get3A_134, %get3A_135] {strides = array<i32>} : memref<9x128xi32, #tpu.memory_space<vmem>>, vector<16xi32>,
    %add3A_137 = arith.addi %mul3A_92, %get3A_136 : vector<16xi32>
    tpu.vector_store_idx %arg9[%add3A_137], %broadcast_in_dim3A_93 {add = true} : memref<16384xf32, #tpu.memory_space<vmem>>[vector<16xi32>], vector<16xf32>,
    %get3A_138 = arith.constant 1 : i32
    %get3A_139 = arith.index_cast %get3A_138 : i32 to index
    %get3A_140 = arith.constant 16 : index
    %get3A_141 = tpu.vector_load %arg7[%get3A_139, %get3A_140] {strides = array<i32>} : memref<9x128xi32, #tpu.memory_space<vmem>>, vector<16xi32>,
    %add3A_142 = arith.addi %mul3A_92, %get3A_141 : vector<16xi32>
    tpu.vector_store_idx %arg9[%add3A_142], %broadcast_in_dim3A_93 {add = true} : memref<16384xf32, #tpu.memory_space<vmem>>[vector<16xi32>], vector<16xf32>,
    %get3A_143 = arith.constant 1 : i32
    %get3A_144 = arith.index_cast %get3A_143 : i32 to index
    %get3A_145 = arith.constant 32 : index
    %get3A_146 = tpu.vector_load %arg7[%get3A_144, %get3A_145] {strides = array<i32>} : memref<9x128xi32, #tpu.memory_space<vmem>>, vector<16xi32>,
    %add3A_147 = arith.addi %mul3A_92, %get3A_146 : vector<16xi32>
    tpu.vector_store_idx %arg9[%add3A_147], %broadcast_in_dim3A_93 {add = true} : memref<16384xf32, #tpu.memory_space<vmem>>[vector<16xi32>], vector<16xf32>,
    %get3A_148 = arith.constant 1 : i32
    %get3A_149 = arith.index_cast %get3A_148 : i32 to index
    %get3A_150 = arith.constant 48 : index
    %get3A_151 = tpu.vector_load %arg7[%get3A_149, %get3A_150] {strides = array<i32>} : memref<9x128xi32, #tpu.memory_space<vmem>>, vector<16xi32>,
    %add3A_152 = arith.addi %mul3A_92, %get3A_151 : vector<16xi32>
    tpu.vector_store_idx %arg9[%add3A_152], %broadcast_in_dim3A_93 {add = true} : memref<16384xf32, #tpu.memory_space<vmem>>[vector<16xi32>], vector<16xf32>,
    %get3A_153 = arith.constant 1 : i32
    %get3A_154 = arith.index_cast %get3A_153 : i32 to index
    %get3A_155 = arith.constant 64 : index
    %get3A_156 = tpu.vector_load %arg7[%get3A_154, %get3A_155] {strides = array<i32>} : memref<9x128xi32, #tpu.memory_space<vmem>>, vector<16xi32>,
    %add3A_157 = arith.addi %mul3A_92, %get3A_156 : vector<16xi32>
    tpu.vector_store_idx %arg9[%add3A_157], %broadcast_in_dim3A_93 {add = true} : memref<16384xf32, #tpu.memory_space<vmem>>[vector<16xi32>], vector<16xf32>,
    %get3A_158 = arith.constant 1 : i32
    %get3A_159 = arith.index_cast %get3A_158 : i32 to index
    %get3A_160 = arith.constant 80 : index
    %get3A_161 = tpu.vector_load %arg7[%get3A_159, %get3A_160] {strides = array<i32>} : memref<9x128xi32, #tpu.memory_space<vmem>>, vector<16xi32>,
    %add3A_162 = arith.addi %mul3A_92, %get3A_161 : vector<16xi32>
    tpu.vector_store_idx %arg9[%add3A_162], %broadcast_in_dim3A_93 {add = true} : memref<16384xf32, #tpu.memory_space<vmem>>[vector<16xi32>], vector<16xf32>,
    %get3A_163 = arith.constant 1 : i32
    %get3A_164 = arith.index_cast %get3A_163 : i32 to index
    %get3A_165 = arith.constant 96 : index
    %get3A_166 = tpu.vector_load %arg7[%get3A_164, %get3A_165] {strides = array<i32>} : memref<9x128xi32, #tpu.memory_space<vmem>>, vector<16xi32>,
    %add3A_167 = arith.addi %mul3A_92, %get3A_166 : vector<16xi32>
    tpu.vector_store_idx %arg9[%add3A_167], %broadcast_in_dim3A_93 {add = true} : memref<16384xf32, #tpu.memory_space<vmem>>[vector<16xi32>], vector<16xf32>,
    %get3A_168 = arith.constant 1 : i32
    %get3A_169 = arith.index_cast %get3A_168 : i32 to index
    %get3A_170 = arith.constant 112 : index
    %get3A_171 = tpu.vector_load %arg7[%get3A_169, %get3A_170] {strides = array<i32>} : memref<9x128xi32, #tpu.memory_space<vmem>>, vector<16xi32>,
    %add3A_172 = arith.addi %mul3A_92, %get3A_171 : vector<16xi32>
    tpu.vector_store_idx %arg9[%add3A_172], %broadcast_in_dim3A_93 {add = true} : memref<16384xf32, #tpu.memory_space<vmem>>[vector<16xi32>], vector<16xf32>,
    %get3A_173 = arith.constant 2 : i32
    %get3A_174 = arith.index_cast %get3A_173 : i32 to index
    %get3A_175 = arith.constant 0 : index
    %get3A_176 = tpu.vector_load %arg7[%get3A_174, %get3A_175] {strides = array<i32>} : memref<9x128xi32, #tpu.memory_space<vmem>>, vector<16xi32>,
    %add3A_177 = arith.addi %mul3A_92, %get3A_176 : vector<16xi32>
    tpu.vector_store_idx %arg9[%add3A_177], %broadcast_in_dim3A_93 {add = true} : memref<16384xf32, #tpu.memory_space<vmem>>[vector<16xi32>], vector<16xf32>,
    %get3A_178 = arith.constant 2 : i32
    %get3A_179 = arith.index_cast %get3A_178 : i32 to index
    %get3A_180 = arith.constant 16 : index
    %get3A_181 = tpu.vector_load %arg7[%get3A_179, %get3A_180] {strides = array<i32>} : memref<9x128xi32, #tpu.memory_space<vmem>>, vector<16xi32>,
    %add3A_182 = arith.addi %mul3A_92, %get3A_181 : vector<16xi32>
    tpu.vector_store_idx %arg9[%add3A_182], %broadcast_in_dim3A_93 {add = true} : memref<16384xf32, #tpu.memory_space<vmem>>[vector<16xi32>], vector<16xf32>,
    %get3A_183 = arith.constant 2 : i32
    %get3A_184 = arith.index_cast %get3A_183 : i32 to index
    %get3A_185 = arith.constant 32 : index
    %get3A_186 = tpu.vector_load %arg7[%get3A_184, %get3A_185] {strides = array<i32>} : memref<9x128xi32, #tpu.memory_space<vmem>>, vector<16xi32>,
    %add3A_187 = arith.addi %mul3A_92, %get3A_186 : vector<16xi32>
    tpu.vector_store_idx %arg9[%add3A_187], %broadcast_in_dim3A_93 {add = true} : memref<16384xf32, #tpu.memory_space<vmem>>[vector<16xi32>], vector<16xf32>,
    %get3A_188 = arith.constant 2 : i32
    %get3A_189 = arith.index_cast %get3A_188 : i32 to index
    %get3A_190 = arith.constant 48 : index
    %get3A_191 = tpu.vector_load %arg7[%get3A_189, %get3A_190] {strides = array<i32>} : memref<9x128xi32, #tpu.memory_space<vmem>>, vector<16xi32>,
    %add3A_192 = arith.addi %mul3A_92, %get3A_191 : vector<16xi32>
    tpu.vector_store_idx %arg9[%add3A_192], %broadcast_in_dim3A_93 {add = true} : memref<16384xf32, #tpu.memory_space<vmem>>[vector<16xi32>], vector<16xf32>,
    %get3A_193 = arith.constant 2 : i32
    %get3A_194 = arith.index_cast %get3A_193 : i32 to index
    %get3A_195 = arith.constant 64 : index
    %get3A_196 = tpu.vector_load %arg7[%get3A_194, %get3A_195] {strides = array<i32>} : memref<9x128xi32, #tpu.memory_space<vmem>>, vector<16xi32>,
    %add3A_197 = arith.addi %mul3A_92, %get3A_196 : vector<16xi32>
    tpu.vector_store_idx %arg9[%add3A_197], %broadcast_in_dim3A_93 {add = true} : memref<16384xf32, #tpu.memory_space<vmem>>[vector<16xi32>], vector<16xf32>,
    %get3A_198 = arith.constant 2 : i32
    %get3A_199 = arith.index_cast %get3A_198 : i32 to index
    %get3A_200 = arith.constant 80 : index
    %get3A_201 = tpu.vector_load %arg7[%get3A_199, %get3A_200] {strides = array<i32>} : memref<9x128xi32, #tpu.memory_space<vmem>>, vector<16xi32>,
    %add3A_202 = arith.addi %mul3A_92, %get3A_201 : vector<16xi32>
    tpu.vector_store_idx %arg9[%add3A_202], %broadcast_in_dim3A_93 {add = true} : memref<16384xf32, #tpu.memory_space<vmem>>[vector<16xi32>], vector<16xf32>,
    %get3A_203 = arith.constant 2 : i32
    %get3A_204 = arith.index_cast %get3A_203 : i32 to index
    %get3A_205 = arith.constant 96 : index
    %get3A_206 = tpu.vector_load %arg7[%get3A_204, %get3A_205] {strides = array<i32>} : memref<9x128xi32, #tpu.memory_space<vmem>>, vector<16xi32>,
    %add3A_207 = arith.addi %mul3A_92, %get3A_206 : vector<16xi32>
    tpu.vector_store_idx %arg9[%add3A_207], %broadcast_in_dim3A_93 {add = true} : memref<16384xf32, #tpu.memory_space<vmem>>[vector<16xi32>], vector<16xf32>,
    %get3A_208 = arith.constant 2 : i32
    %get3A_209 = arith.index_cast %get3A_208 : i32 to index
    %get3A_210 = arith.constant 112 : index
    %get3A_211 = tpu.vector_load %arg7[%get3A_209, %get3A_210] {strides = array<i32>} : memref<9x128xi32, #tpu.memory_space<vmem>>, vector<16xi32>,
    %add3A_212 = arith.addi %mul3A_92, %get3A_211 : vector<16xi32>
    tpu.vector_store_idx %arg9[%add3A_212], %broadcast_in_dim3A_93 {add = true} : memref<16384xf32, #tpu.memory_space<vmem>>[vector<16xi32>], vector<16xf32>,
    %get3A_213 = arith.constant 3 : i32
    %get3A_214 = arith.index_cast %get3A_213 : i32 to index
    %get3A_215 = arith.constant 0 : index
    %get3A_216 = tpu.vector_load %arg7[%get3A_214, %get3A_215] {strides = array<i32>} : memref<9x128xi32, #tpu.memory_space<vmem>>, vector<16xi32>,
    %add3A_217 = arith.addi %mul3A_92, %get3A_216 : vector<16xi32>
    tpu.vector_store_idx %arg9[%add3A_217], %broadcast_in_dim3A_93 {add = true} : memref<16384xf32, #tpu.memory_space<vmem>>[vector<16xi32>], vector<16xf32>,
    %get3A_218 = arith.constant 3 : i32
    %get3A_219 = arith.index_cast %get3A_218 : i32 to index
    %get3A_220 = arith.constant 16 : index
    %get3A_221 = tpu.vector_load %arg7[%get3A_219, %get3A_220] {strides = array<i32>} : memref<9x128xi32, #tpu.memory_space<vmem>>, vector<16xi32>,
    %add3A_222 = arith.addi %mul3A_92, %get3A_221 : vector<16xi32>
    tpu.vector_store_idx %arg9[%add3A_222], %broadcast_in_dim3A_93 {add = true} : memref<16384xf32, #tpu.memory_space<vmem>>[vector<16xi32>], vector<16xf32>,
    %get3A_223 = arith.constant 3 : i32
    %get3A_224 = arith.index_cast %get3A_223 : i32 to index
    %get3A_225 = arith.constant 32 : index
    %get3A_226 = tpu.vector_load %arg7[%get3A_224, %get3A_225] {strides = array<i32>} : memref<9x128xi32, #tpu.memory_space<vmem>>, vector<16xi32>,
    %add3A_227 = arith.addi %mul3A_92, %get3A_226 : vector<16xi32>
    tpu.vector_store_idx %arg9[%add3A_227], %broadcast_in_dim3A_93 {add = true} : memref<16384xf32, #tpu.memory_space<vmem>>[vector<16xi32>], vector<16xf32>,
    %get3A_228 = arith.constant 3 : i32
    %get3A_229 = arith.index_cast %get3A_228 : i32 to index
    %get3A_230 = arith.constant 48 : index
    %get3A_231 = tpu.vector_load %arg7[%get3A_229, %get3A_230] {strides = array<i32>} : memref<9x128xi32, #tpu.memory_space<vmem>>, vector<16xi32>,
    %add3A_232 = arith.addi %mul3A_92, %get3A_231 : vector<16xi32>
    tpu.vector_store_idx %arg9[%add3A_232], %broadcast_in_dim3A_93 {add = true} : memref<16384xf32, #tpu.memory_space<vmem>>[vector<16xi32>], vector<16xf32>,
    %get3A_233 = arith.constant 3 : i32
    %get3A_234 = arith.index_cast %get3A_233 : i32 to index
    %get3A_235 = arith.constant 64 : index
    %get3A_236 = tpu.vector_load %arg7[%get3A_234, %get3A_235] {strides = array<i32>} : memref<9x128xi32, #tpu.memory_space<vmem>>, vector<16xi32>,
    %add3A_237 = arith.addi %mul3A_92, %get3A_236 : vector<16xi32>
    tpu.vector_store_idx %arg9[%add3A_237], %broadcast_in_dim3A_93 {add = true} : memref<16384xf32, #tpu.memory_space<vmem>>[vector<16xi32>], vector<16xf32>,
    %get3A_238 = arith.constant 3 : i32
    %get3A_239 = arith.index_cast %get3A_238 : i32 to index
    %get3A_240 = arith.constant 80 : index
    %get3A_241 = tpu.vector_load %arg7[%get3A_239, %get3A_240] {strides = array<i32>} : memref<9x128xi32, #tpu.memory_space<vmem>>, vector<16xi32>,
    %add3A_242 = arith.addi %mul3A_92, %get3A_241 : vector<16xi32>
    tpu.vector_store_idx %arg9[%add3A_242], %broadcast_in_dim3A_93 {add = true} : memref<16384xf32, #tpu.memory_space<vmem>>[vector<16xi32>], vector<16xf32>,
    %get3A_243 = arith.constant 3 : i32
    %get3A_244 = arith.index_cast %get3A_243 : i32 to index
    %get3A_245 = arith.constant 96 : index
    %get3A_246 = tpu.vector_load %arg7[%get3A_244, %get3A_245] {strides = array<i32>} : memref<9x128xi32, #tpu.memory_space<vmem>>, vector<16xi32>,
    %add3A_247 = arith.addi %mul3A_92, %get3A_246 : vector<16xi32>
    tpu.vector_store_idx %arg9[%add3A_247], %broadcast_in_dim3A_93 {add = true} : memref<16384xf32, #tpu.memory_space<vmem>>[vector<16xi32>], vector<16xf32>,
    %get3A_248 = arith.constant 3 : i32
    %get3A_249 = arith.index_cast %get3A_248 : i32 to index
    %get3A_250 = arith.constant 112 : index
    %get3A_251 = tpu.vector_load %arg7[%get3A_249, %get3A_250] {strides = array<i32>} : memref<9x128xi32, #tpu.memory_space<vmem>>, vector<16xi32>,
    %add3A_252 = arith.addi %mul3A_92, %get3A_251 : vector<16xi32>
    tpu.vector_store_idx %arg9[%add3A_252], %broadcast_in_dim3A_93 {add = true} : memref<16384xf32, #tpu.memory_space<vmem>>[vector<16xi32>], vector<16xf32>,
    %get3A_253 = arith.constant 4 : i32
    %get3A_254 = arith.index_cast %get3A_253 : i32 to index
    %get3A_255 = arith.constant 0 : index
    %get3A_256 = tpu.vector_load %arg7[%get3A_254, %get3A_255] {strides = array<i32>} : memref<9x128xi32, #tpu.memory_space<vmem>>, vector<16xi32>,
    %add3A_257 = arith.addi %mul3A_92, %get3A_256 : vector<16xi32>
    tpu.vector_store_idx %arg9[%add3A_257], %broadcast_in_dim3A_93 {add = true} : memref<16384xf32, #tpu.memory_space<vmem>>[vector<16xi32>], vector<16xf32>,
    %get3A_258 = arith.constant 4 : i32
    %get3A_259 = arith.index_cast %get3A_258 : i32 to index
    %get3A_260 = arith.constant 16 : index
    %get3A_261 = tpu.vector_load %arg7[%get3A_259, %get3A_260] {strides = array<i32>} : memref<9x128xi32, #tpu.memory_space<vmem>>, vector<16xi32>,
    %add3A_262 = arith.addi %mul3A_92, %get3A_261 : vector<16xi32>
    tpu.vector_store_idx %arg9[%add3A_262], %broadcast_in_dim3A_93 {add = true} : memref<16384xf32, #tpu.memory_space<vmem>>[vector<16xi32>], vector<16xf32>,
    %get3A_263 = arith.constant 4 : i32
    %get3A_264 = arith.index_cast %get3A_263 : i32 to index
    %get3A_265 = arith.constant 32 : index
    %get3A_266 = tpu.vector_load %arg7[%get3A_264, %get3A_265] {strides = array<i32>} : memref<9x128xi32, #tpu.memory_space<vmem>>, vector<16xi32>,
    %add3A_267 = arith.addi %mul3A_92, %get3A_266 : vector<16xi32>
    tpu.vector_store_idx %arg9[%add3A_267], %broadcast_in_dim3A_93 {add = true} : memref<16384xf32, #tpu.memory_space<vmem>>[vector<16xi32>], vector<16xf32>,
    %get3A_268 = arith.constant 4 : i32
    %get3A_269 = arith.index_cast %get3A_268 : i32 to index
    %get3A_270 = arith.constant 48 : index
    %get3A_271 = tpu.vector_load %arg7[%get3A_269, %get3A_270] {strides = array<i32>} : memref<9x128xi32, #tpu.memory_space<vmem>>, vector<16xi32>,
    %add3A_272 = arith.addi %mul3A_92, %get3A_271 : vector<16xi32>
    tpu.vector_store_idx %arg9[%add3A_272], %broadcast_in_dim3A_93 {add = true} : memref<16384xf32, #tpu.memory_space<vmem>>[vector<16xi32>], vector<16xf32>,
    %get3A_273 = arith.constant 4 : i32
    %get3A_274 = arith.index_cast %get3A_273 : i32 to index
    %get3A_275 = arith.constant 64 : index
    %get3A_276 = tpu.vector_load %arg7[%get3A_274, %get3A_275] {strides = array<i32>} : memref<9x128xi32, #tpu.memory_space<vmem>>, vector<16xi32>,
    %add3A_277 = arith.addi %mul3A_92, %get3A_276 : vector<16xi32>
    tpu.vector_store_idx %arg9[%add3A_277], %broadcast_in_dim3A_93 {add = true} : memref<16384xf32, #tpu.memory_space<vmem>>[vector<16xi32>], vector<16xf32>,
    %get3A_278 = arith.constant 4 : i32
    %get3A_279 = arith.index_cast %get3A_278 : i32 to index
    %get3A_280 = arith.constant 80 : index
    %get3A_281 = tpu.vector_load %arg7[%get3A_279, %get3A_280] {strides = array<i32>} : memref<9x128xi32, #tpu.memory_space<vmem>>, vector<16xi32>,
    %add3A_282 = arith.addi %mul3A_92, %get3A_281 : vector<16xi32>
    tpu.vector_store_idx %arg9[%add3A_282], %broadcast_in_dim3A_93 {add = true} : memref<16384xf32, #tpu.memory_space<vmem>>[vector<16xi32>], vector<16xf32>,
    %get3A_283 = arith.constant 4 : i32
    %get3A_284 = arith.index_cast %get3A_283 : i32 to index
    %get3A_285 = arith.constant 96 : index
    %get3A_286 = tpu.vector_load %arg7[%get3A_284, %get3A_285] {strides = array<i32>} : memref<9x128xi32, #tpu.memory_space<vmem>>, vector<16xi32>,
    %add3A_287 = arith.addi %mul3A_92, %get3A_286 : vector<16xi32>
    tpu.vector_store_idx %arg9[%add3A_287], %broadcast_in_dim3A_93 {add = true} : memref<16384xf32, #tpu.memory_space<vmem>>[vector<16xi32>], vector<16xf32>,
    %get3A_288 = arith.constant 4 : i32
    %get3A_289 = arith.index_cast %get3A_288 : i32 to index
    %get3A_290 = arith.constant 112 : index
    %get3A_291 = tpu.vector_load %arg7[%get3A_289, %get3A_290] {strides = array<i32>} : memref<9x128xi32, #tpu.memory_space<vmem>>, vector<16xi32>,
    %add3A_292 = arith.addi %mul3A_92, %get3A_291 : vector<16xi32>
    tpu.vector_store_idx %arg9[%add3A_292], %broadcast_in_dim3A_93 {add = true} : memref<16384xf32, #tpu.memory_space<vmem>>[vector<16xi32>], vector<16xf32>,
    %get3A_293 = arith.constant 5 : i32
    %get3A_294 = arith.index_cast %get3A_293 : i32 to index
    %get3A_295 = arith.constant 0 : index
    %get3A_296 = tpu.vector_load %arg7[%get3A_294, %get3A_295] {strides = array<i32>} : memref<9x128xi32, #tpu.memory_space<vmem>>, vector<16xi32>,
    %add3A_297 = arith.addi %mul3A_92, %get3A_296 : vector<16xi32>
    tpu.vector_store_idx %arg9[%add3A_297], %broadcast_in_dim3A_93 {add = true} : memref<16384xf32, #tpu.memory_space<vmem>>[vector<16xi32>], vector<16xf32>,
    %get3A_298 = arith.constant 5 : i32
    %get3A_299 = arith.index_cast %get3A_298 : i32 to index
    %get3A_300 = arith.constant 16 : index
    %get3A_301 = tpu.vector_load %arg7[%get3A_299, %get3A_300] {strides = array<i32>} : memref<9x128xi32, #tpu.memory_space<vmem>>, vector<16xi32>,
    %add3A_302 = arith.addi %mul3A_92, %get3A_301 : vector<16xi32>
    tpu.vector_store_idx %arg9[%add3A_302], %broadcast_in_dim3A_93 {add = true} : memref<16384xf32, #tpu.memory_space<vmem>>[vector<16xi32>], vector<16xf32>,
    %get3A_303 = arith.constant 5 : i32
    %get3A_304 = arith.index_cast %get3A_303 : i32 to index
    %get3A_305 = arith.constant 32 : index
    %get3A_306 = tpu.vector_load %arg7[%get3A_304, %get3A_305] {strides = array<i32>} : memref<9x128xi32, #tpu.memory_space<vmem>>, vector<16xi32>,
    %add3A_307 = arith.addi %mul3A_92, %get3A_306 : vector<16xi32>
    tpu.vector_store_idx %arg9[%add3A_307], %broadcast_in_dim3A_93 {add = true} : memref<16384xf32, #tpu.memory_space<vmem>>[vector<16xi32>], vector<16xf32>,
    %get3A_308 = arith.constant 5 : i32
    %get3A_309 = arith.index_cast %get3A_308 : i32 to index
    %get3A_310 = arith.constant 48 : index
    %get3A_311 = tpu.vector_load %arg7[%get3A_309, %get3A_310] {strides = array<i32>} : memref<9x128xi32, #tpu.memory_space<vmem>>, vector<16xi32>,
    %add3A_312 = arith.addi %mul3A_92, %get3A_311 : vector<16xi32>
    tpu.vector_store_idx %arg9[%add3A_312], %broadcast_in_dim3A_93 {add = true} : memref<16384xf32, #tpu.memory_space<vmem>>[vector<16xi32>], vector<16xf32>,
    %get3A_313 = arith.constant 5 : i32
    %get3A_314 = arith.index_cast %get3A_313 : i32 to index
    %get3A_315 = arith.constant 64 : index
    %get3A_316 = tpu.vector_load %arg7[%get3A_314, %get3A_315] {strides = array<i32>} : memref<9x128xi32, #tpu.memory_space<vmem>>, vector<16xi32>,
    %add3A_317 = arith.addi %mul3A_92, %get3A_316 : vector<16xi32>
    tpu.vector_store_idx %arg9[%add3A_317], %broadcast_in_dim3A_93 {add = true} : memref<16384xf32, #tpu.memory_space<vmem>>[vector<16xi32>], vector<16xf32>,
    %get3A_318 = arith.constant 5 : i32
    %get3A_319 = arith.index_cast %get3A_318 : i32 to index
    %get3A_320 = arith.constant 80 : index
    %get3A_321 = tpu.vector_load %arg7[%get3A_319, %get3A_320] {strides = array<i32>} : memref<9x128xi32, #tpu.memory_space<vmem>>, vector<16xi32>,
    %add3A_322 = arith.addi %mul3A_92, %get3A_321 : vector<16xi32>
    tpu.vector_store_idx %arg9[%add3A_322], %broadcast_in_dim3A_93 {add = true} : memref<16384xf32, #tpu.memory_space<vmem>>[vector<16xi32>], vector<16xf32>,
    %get3A_323 = arith.constant 5 : i32
    %get3A_324 = arith.index_cast %get3A_323 : i32 to index
    %get3A_325 = arith.constant 96 : index
    %get3A_326 = tpu.vector_load %arg7[%get3A_324, %get3A_325] {strides = array<i32>} : memref<9x128xi32, #tpu.memory_space<vmem>>, vector<16xi32>,
    %add3A_327 = arith.addi %mul3A_92, %get3A_326 : vector<16xi32>
    tpu.vector_store_idx %arg9[%add3A_327], %broadcast_in_dim3A_93 {add = true} : memref<16384xf32, #tpu.memory_space<vmem>>[vector<16xi32>], vector<16xf32>,
    %get3A_328 = arith.constant 5 : i32
    %get3A_329 = arith.index_cast %get3A_328 : i32 to index
    %get3A_330 = arith.constant 112 : index
    %get3A_331 = tpu.vector_load %arg7[%get3A_329, %get3A_330] {strides = array<i32>} : memref<9x128xi32, #tpu.memory_space<vmem>>, vector<16xi32>,
    %add3A_332 = arith.addi %mul3A_92, %get3A_331 : vector<16xi32>
    tpu.vector_store_idx %arg9[%add3A_332], %broadcast_in_dim3A_93 {add = true} : memref<16384xf32, #tpu.memory_space<vmem>>[vector<16xi32>], vector<16xf32>,
    %get3A_333 = arith.constant 6 : i32
    %get3A_334 = arith.index_cast %get3A_333 : i32 to index
    %get3A_335 = arith.constant 0 : index
    %get3A_336 = tpu.vector_load %arg7[%get3A_334, %get3A_335] {strides = array<i32>} : memref<9x128xi32, #tpu.memory_space<vmem>>, vector<16xi32>,
    %add3A_337 = arith.addi %mul3A_92, %get3A_336 : vector<16xi32>
    tpu.vector_store_idx %arg9[%add3A_337], %broadcast_in_dim3A_93 {add = true} : memref<16384xf32, #tpu.memory_space<vmem>>[vector<16xi32>], vector<16xf32>,
    %get3A_338 = arith.constant 6 : i32
    %get3A_339 = arith.index_cast %get3A_338 : i32 to index
    %get3A_340 = arith.constant 16 : index
    %get3A_341 = tpu.vector_load %arg7[%get3A_339, %get3A_340] {strides = array<i32>} : memref<9x128xi32, #tpu.memory_space<vmem>>, vector<16xi32>,
    %add3A_342 = arith.addi %mul3A_92, %get3A_341 : vector<16xi32>
    tpu.vector_store_idx %arg9[%add3A_342], %broadcast_in_dim3A_93 {add = true} : memref<16384xf32, #tpu.memory_space<vmem>>[vector<16xi32>], vector<16xf32>,
    %get3A_343 = arith.constant 6 : i32
    %get3A_344 = arith.index_cast %get3A_343 : i32 to index
    %get3A_345 = arith.constant 32 : index
    %get3A_346 = tpu.vector_load %arg7[%get3A_344, %get3A_345] {strides = array<i32>} : memref<9x128xi32, #tpu.memory_space<vmem>>, vector<16xi32>,
    %add3A_347 = arith.addi %mul3A_92, %get3A_346 : vector<16xi32>
    tpu.vector_store_idx %arg9[%add3A_347], %broadcast_in_dim3A_93 {add = true} : memref<16384xf32, #tpu.memory_space<vmem>>[vector<16xi32>], vector<16xf32>,
    %get3A_348 = arith.constant 6 : i32
    %get3A_349 = arith.index_cast %get3A_348 : i32 to index
    %get3A_350 = arith.constant 48 : index
    %get3A_351 = tpu.vector_load %arg7[%get3A_349, %get3A_350] {strides = array<i32>} : memref<9x128xi32, #tpu.memory_space<vmem>>, vector<16xi32>,
    %add3A_352 = arith.addi %mul3A_92, %get3A_351 : vector<16xi32>
    tpu.vector_store_idx %arg9[%add3A_352], %broadcast_in_dim3A_93 {add = true} : memref<16384xf32, #tpu.memory_space<vmem>>[vector<16xi32>], vector<16xf32>,
    %get3A_353 = arith.constant 6 : i32
    %get3A_354 = arith.index_cast %get3A_353 : i32 to index
    %get3A_355 = arith.constant 64 : index
    %get3A_356 = tpu.vector_load %arg7[%get3A_354, %get3A_355] {strides = array<i32>} : memref<9x128xi32, #tpu.memory_space<vmem>>, vector<16xi32>,
    %add3A_357 = arith.addi %mul3A_92, %get3A_356 : vector<16xi32>
    tpu.vector_store_idx %arg9[%add3A_357], %broadcast_in_dim3A_93 {add = true} : memref<16384xf32, #tpu.memory_space<vmem>>[vector<16xi32>], vector<16xf32>,
    %get3A_358 = arith.constant 6 : i32
    %get3A_359 = arith.index_cast %get3A_358 : i32 to index
    %get3A_360 = arith.constant 80 : index
    %get3A_361 = tpu.vector_load %arg7[%get3A_359, %get3A_360] {strides = array<i32>} : memref<9x128xi32, #tpu.memory_space<vmem>>, vector<16xi32>,
    %add3A_362 = arith.addi %mul3A_92, %get3A_361 : vector<16xi32>
    tpu.vector_store_idx %arg9[%add3A_362], %broadcast_in_dim3A_93 {add = true} : memref<16384xf32, #tpu.memory_space<vmem>>[vector<16xi32>], vector<16xf32>,
    %get3A_363 = arith.constant 6 : i32
    %get3A_364 = arith.index_cast %get3A_363 : i32 to index
    %get3A_365 = arith.constant 96 : index
    %get3A_366 = tpu.vector_load %arg7[%get3A_364, %get3A_365] {strides = array<i32>} : memref<9x128xi32, #tpu.memory_space<vmem>>, vector<16xi32>,
    %add3A_367 = arith.addi %mul3A_92, %get3A_366 : vector<16xi32>
    tpu.vector_store_idx %arg9[%add3A_367], %broadcast_in_dim3A_93 {add = true} : memref<16384xf32, #tpu.memory_space<vmem>>[vector<16xi32>], vector<16xf32>,
    %get3A_368 = arith.constant 6 : i32
    %get3A_369 = arith.index_cast %get3A_368 : i32 to index
    %get3A_370 = arith.constant 112 : index
    %get3A_371 = tpu.vector_load %arg7[%get3A_369, %get3A_370] {strides = array<i32>} : memref<9x128xi32, #tpu.memory_space<vmem>>, vector<16xi32>,
    %add3A_372 = arith.addi %mul3A_92, %get3A_371 : vector<16xi32>
    tpu.vector_store_idx %arg9[%add3A_372], %broadcast_in_dim3A_93 {add = true} : memref<16384xf32, #tpu.memory_space<vmem>>[vector<16xi32>], vector<16xf32>,
    %get3A_373 = arith.constant 7 : i32
    %get3A_374 = arith.index_cast %get3A_373 : i32 to index
    %get3A_375 = arith.constant 0 : index
    %get3A_376 = tpu.vector_load %arg7[%get3A_374, %get3A_375] {strides = array<i32>} : memref<9x128xi32, #tpu.memory_space<vmem>>, vector<16xi32>,
    %add3A_377 = arith.addi %mul3A_92, %get3A_376 : vector<16xi32>
    tpu.vector_store_idx %arg9[%add3A_377], %broadcast_in_dim3A_93 {add = true} : memref<16384xf32, #tpu.memory_space<vmem>>[vector<16xi32>], vector<16xf32>,
    %get3A_378 = arith.constant 7 : i32
    %get3A_379 = arith.index_cast %get3A_378 : i32 to index
    %get3A_380 = arith.constant 16 : index
    %get3A_381 = tpu.vector_load %arg7[%get3A_379, %get3A_380] {strides = array<i32>} : memref<9x128xi32, #tpu.memory_space<vmem>>, vector<16xi32>,
    %add3A_382 = arith.addi %mul3A_92, %get3A_381 : vector<16xi32>
    tpu.vector_store_idx %arg9[%add3A_382], %broadcast_in_dim3A_93 {add = true} : memref<16384xf32, #tpu.memory_space<vmem>>[vector<16xi32>], vector<16xf32>,
    %get3A_383 = arith.constant 7 : i32
    %get3A_384 = arith.index_cast %get3A_383 : i32 to index
    %get3A_385 = arith.constant 32 : index
    %get3A_386 = tpu.vector_load %arg7[%get3A_384, %get3A_385] {strides = array<i32>} : memref<9x128xi32, #tpu.memory_space<vmem>>, vector<16xi32>,
    %add3A_387 = arith.addi %mul3A_92, %get3A_386 : vector<16xi32>
    tpu.vector_store_idx %arg9[%add3A_387], %broadcast_in_dim3A_93 {add = true} : memref<16384xf32, #tpu.memory_space<vmem>>[vector<16xi32>], vector<16xf32>,
    %get3A_388 = arith.constant 7 : i32
    %get3A_389 = arith.index_cast %get3A_388 : i32 to index
    %get3A_390 = arith.constant 48 : index
    %get3A_391 = tpu.vector_load %arg7[%get3A_389, %get3A_390] {strides = array<i32>} : memref<9x128xi32, #tpu.memory_space<vmem>>, vector<16xi32>,
    %add3A_392 = arith.addi %mul3A_92, %get3A_391 : vector<16xi32>
    tpu.vector_store_idx %arg9[%add3A_392], %broadcast_in_dim3A_93 {add = true} : memref<16384xf32, #tpu.memory_space<vmem>>[vector<16xi32>], vector<16xf32>,
    %get3A_393 = arith.constant 7 : i32
    %get3A_394 = arith.index_cast %get3A_393 : i32 to index
    %get3A_395 = arith.constant 64 : index
    %get3A_396 = tpu.vector_load %arg7[%get3A_394, %get3A_395] {strides = array<i32>} : memref<9x128xi32, #tpu.memory_space<vmem>>, vector<16xi32>,
    %add3A_397 = arith.addi %mul3A_92, %get3A_396 : vector<16xi32>
    tpu.vector_store_idx %arg9[%add3A_397], %broadcast_in_dim3A_93 {add = true} : memref<16384xf32, #tpu.memory_space<vmem>>[vector<16xi32>], vector<16xf32>,
    %get3A_398 = arith.constant 7 : i32
    %get3A_399 = arith.index_cast %get3A_398 : i32 to index
    %get3A_400 = arith.constant 80 : index
    %get3A_401 = tpu.vector_load %arg7[%get3A_399, %get3A_400] {strides = array<i32>} : memref<9x128xi32, #tpu.memory_space<vmem>>, vector<16xi32>,
    %add3A_402 = arith.addi %mul3A_92, %get3A_401 : vector<16xi32>
    tpu.vector_store_idx %arg9[%add3A_402], %broadcast_in_dim3A_93 {add = true} : memref<16384xf32, #tpu.memory_space<vmem>>[vector<16xi32>], vector<16xf32>,
    %get3A_403 = arith.constant 7 : i32
    %get3A_404 = arith.index_cast %get3A_403 : i32 to index
    %get3A_405 = arith.constant 96 : index
    %get3A_406 = tpu.vector_load %arg7[%get3A_404, %get3A_405] {strides = array<i32>} : memref<9x128xi32, #tpu.memory_space<vmem>>, vector<16xi32>,
    %add3A_407 = arith.addi %mul3A_92, %get3A_406 : vector<16xi32>
    tpu.vector_store_idx %arg9[%add3A_407], %broadcast_in_dim3A_93 {add = true} : memref<16384xf32, #tpu.memory_space<vmem>>[vector<16xi32>], vector<16xf32>,
    %get3A_408 = arith.constant 7 : i32
    %get3A_409 = arith.index_cast %get3A_408 : i32 to index
    %get3A_410 = arith.constant 112 : index
    %get3A_411 = tpu.vector_load %arg7[%get3A_409, %get3A_410] {strides = array<i32>} : memref<9x128xi32, #tpu.memory_space<vmem>>, vector<16xi32>,
    %add3A_412 = arith.addi %mul3A_92, %get3A_411 : vector<16xi32>
    tpu.vector_store_idx %arg9[%add3A_412], %broadcast_in_dim3A_93 {add = true} : memref<16384xf32, #tpu.memory_space<vmem>>[vector<16xi32>], vector<16xf32>,
    %get3A_413 = arith.constant 8 : i32
    %get3A_414 = arith.index_cast %get3A_413 : i32 to index
    %get3A_415 = arith.constant 0 : index
    %get3A_416 = tpu.vector_load %arg7[%get3A_414, %get3A_415] {strides = array<i32>} : memref<9x128xi32, #tpu.memory_space<vmem>>, vector<16xi32>,
    %add3A_417 = arith.addi %mul3A_92, %get3A_416 : vector<16xi32>
    tpu.vector_store_idx %arg9[%add3A_417], %broadcast_in_dim3A_93 {add = true} : memref<16384xf32, #tpu.memory_space<vmem>>[vector<16xi32>], vector<16xf32>,
    %get3A_418 = arith.constant 8 : i32
    %get3A_419 = arith.index_cast %get3A_418 : i32 to index
    %get3A_420 = arith.constant 16 : index
    %get3A_421 = tpu.vector_load %arg7[%get3A_419, %get3A_420] {strides = array<i32>} : memref<9x128xi32, #tpu.memory_space<vmem>>, vector<16xi32>,
    %add3A_422 = arith.addi %mul3A_92, %get3A_421 : vector<16xi32>
    tpu.vector_store_idx %arg9[%add3A_422], %broadcast_in_dim3A_93 {add = true} : memref<16384xf32, #tpu.memory_space<vmem>>[vector<16xi32>], vector<16xf32>,
    %get3A_423 = arith.constant 8 : i32
    %get3A_424 = arith.index_cast %get3A_423 : i32 to index
    %get3A_425 = arith.constant 32 : index
    %get3A_426 = tpu.vector_load %arg7[%get3A_424, %get3A_425] {strides = array<i32>} : memref<9x128xi32, #tpu.memory_space<vmem>>, vector<16xi32>,
    %add3A_427 = arith.addi %mul3A_92, %get3A_426 : vector<16xi32>
    tpu.vector_store_idx %arg9[%add3A_427], %broadcast_in_dim3A_93 {add = true} : memref<16384xf32, #tpu.memory_space<vmem>>[vector<16xi32>], vector<16xf32>,
    %get3A_428 = arith.constant 8 : i32
    %get3A_429 = arith.index_cast %get3A_428 : i32 to index
    %get3A_430 = arith.constant 48 : index
    %get3A_431 = tpu.vector_load %arg7[%get3A_429, %get3A_430] {strides = array<i32>} : memref<9x128xi32, #tpu.memory_space<vmem>>, vector<16xi32>,
    %add3A_432 = arith.addi %mul3A_92, %get3A_431 : vector<16xi32>
    tpu.vector_store_idx %arg9[%add3A_432], %broadcast_in_dim3A_93 {add = true} : memref<16384xf32, #tpu.memory_space<vmem>>[vector<16xi32>], vector<16xf32>,
    %get3A_433 = arith.constant 8 : i32
    %get3A_434 = arith.index_cast %get3A_433 : i32 to index
    %get3A_435 = arith.constant 64 : index
    %get3A_436 = tpu.vector_load %arg7[%get3A_434, %get3A_435] {strides = array<i32>} : memref<9x128xi32, #tpu.memory_space<vmem>>, vector<16xi32>,
    %add3A_437 = arith.addi %mul3A_92, %get3A_436 : vector<16xi32>
    tpu.vector_store_idx %arg9[%add3A_437], %broadcast_in_dim3A_93 {add = true} : memref<16384xf32, #tpu.memory_space<vmem>>[vector<16xi32>], vector<16xf32>,
    %get3A_438 = arith.constant 8 : i32
    %get3A_439 = arith.index_cast %get3A_438 : i32 to index
    %get3A_440 = arith.constant 80 : index
    %get3A_441 = tpu.vector_load %arg7[%get3A_439, %get3A_440] {strides = array<i32>} : memref<9x128xi32, #tpu.memory_space<vmem>>, vector<16xi32>,
    %add3A_442 = arith.addi %mul3A_92, %get3A_441 : vector<16xi32>
    tpu.vector_store_idx %arg9[%add3A_442], %broadcast_in_dim3A_93 {add = true} : memref<16384xf32, #tpu.memory_space<vmem>>[vector<16xi32>], vector<16xf32>,
    %get3A_443 = arith.constant 8 : i32
    %get3A_444 = arith.index_cast %get3A_443 : i32 to index
    %get3A_445 = arith.constant 96 : index
    %get3A_446 = tpu.vector_load %arg7[%get3A_444, %get3A_445] {strides = array<i32>} : memref<9x128xi32, #tpu.memory_space<vmem>>, vector<16xi32>,
    %add3A_447 = arith.addi %mul3A_92, %get3A_446 : vector<16xi32>
    tpu.vector_store_idx %arg9[%add3A_447], %broadcast_in_dim3A_93 {add = true} : memref<16384xf32, #tpu.memory_space<vmem>>[vector<16xi32>], vector<16xf32>,
    %get3A_448 = arith.constant 8 : i32
    %get3A_449 = arith.index_cast %get3A_448 : i32 to index
    %get3A_450 = arith.constant 112 : index
    %get3A_451 = tpu.vector_load %arg7[%get3A_449, %get3A_450] {strides = array<i32>} : memref<9x128xi32, #tpu.memory_space<vmem>>, vector<16xi32>,
    %add3A_452 = arith.addi %mul3A_92, %get3A_451 : vector<16xi32>
    tpu.vector_store_idx %arg9[%add3A_452], %broadcast_in_dim3A_93 {add = true} : memref<16384xf32, #tpu.memory_space<vmem>>[vector<16xi32>], vector<16xf32>,
    %scan3A = arith.constant 0 : i32
    %scan3A_453 = arith.constant 0 : i32
    %scan3A_454 = arith.constant 64 : i32
    %scan3A_455 = arith.addi %scan3A_453, %scan3A_454 : i32
    %scan3A_456 = arith.constant 1 : i32
    scf.for %scan3A_551 = %scan3A_453 to %scan3A_455 step %scan3A_456  : i32 {
      %mul3A_552 = arith.constant 16 : i32
      %mul3A_553 = arith.muli %scan3A_551, %mul3A_552 : i32
      %get3A_554 = arith.index_cast %mul3A_553 : i32 to index
      %get3A_555 = tpu.vector_load %arg9[%get3A_554] {strides = array<i32>} : memref<16384xf32, #tpu.memory_space<vmem>>, vector<16xf32>,
      %mul3A_556 = arith.constant 16 : i32
      %mul3A_557 = arith.muli %scan3A_551, %mul3A_556 : i32
      %add3A_558 = arith.constant 1024 : i32
      %add3A_559 = arith.addi %add3A_558, %mul3A_557 : i32
      %get3A_560 = arith.index_cast %add3A_559 : i32 to index
      %get3A_561 = tpu.vector_load %arg9[%get3A_560] {strides = array<i32>} : memref<16384xf32, #tpu.memory_space<vmem>>, vector<16xf32>,
      %add3A_562 = arith.addf %get3A_555, %get3A_561 : vector<16xf32>
      %mul3A_563 = arith.constant 16 : i32
      %mul3A_564 = arith.muli %scan3A_551, %mul3A_563 : i32
      %add3A_565 = arith.constant 2048 : i32
      %add3A_566 = arith.addi %add3A_565, %mul3A_564 : i32
      %get3A_567 = arith.index_cast %add3A_566 : i32 to index
      %get3A_568 = tpu.vector_load %arg9[%get3A_567] {strides = array<i32>} : memref<16384xf32, #tpu.memory_space<vmem>>, vector<16xf32>,
      %add3A_569 = arith.addf %add3A_562, %get3A_568 : vector<16xf32>
      %mul3A_570 = arith.constant 16 : i32
      %mul3A_571 = arith.muli %scan3A_551, %mul3A_570 : i32
      %add3A_572 = arith.constant 3072 : i32
      %add3A_573 = arith.addi %add3A_572, %mul3A_571 : i32
      %get3A_574 = arith.index_cast %add3A_573 : i32 to index
      %get3A_575 = tpu.vector_load %arg9[%get3A_574] {strides = array<i32>} : memref<16384xf32, #tpu.memory_space<vmem>>, vector<16xf32>,
      %add3A_576 = arith.addf %add3A_569, %get3A_575 : vector<16xf32>
      %mul3A_577 = arith.constant 16 : i32
      %mul3A_578 = arith.muli %scan3A_551, %mul3A_577 : i32
      %add3A_579 = arith.constant 4096 : i32
      %add3A_580 = arith.addi %add3A_579, %mul3A_578 : i32
      %get3A_581 = arith.index_cast %add3A_580 : i32 to index
      %get3A_582 = tpu.vector_load %arg9[%get3A_581] {strides = array<i32>} : memref<16384xf32, #tpu.memory_space<vmem>>, vector<16xf32>,
      %add3A_583 = arith.addf %add3A_576, %get3A_582 : vector<16xf32>
      %mul3A_584 = arith.constant 16 : i32
      %mul3A_585 = arith.muli %scan3A_551, %mul3A_584 : i32
      %add3A_586 = arith.constant 5120 : i32
      %add3A_587 = arith.addi %add3A_586, %mul3A_585 : i32
      %get3A_588 = arith.index_cast %add3A_587 : i32 to index
      %get3A_589 = tpu.vector_load %arg9[%get3A_588] {strides = array<i32>} : memref<16384xf32, #tpu.memory_space<vmem>>, vector<16xf32>,
      %add3A_590 = arith.addf %add3A_583, %get3A_589 : vector<16xf32>
      %mul3A_591 = arith.constant 16 : i32
      %mul3A_592 = arith.muli %scan3A_551, %mul3A_591 : i32
      %add3A_593 = arith.constant 6144 : i32
      %add3A_594 = arith.addi %add3A_593, %mul3A_592 : i32
      %get3A_595 = arith.index_cast %add3A_594 : i32 to index
      %get3A_596 = tpu.vector_load %arg9[%get3A_595] {strides = array<i32>} : memref<16384xf32, #tpu.memory_space<vmem>>, vector<16xf32>,
      %add3A_597 = arith.addf %add3A_590, %get3A_596 : vector<16xf32>
      %mul3A_598 = arith.constant 16 : i32
      %mul3A_599 = arith.muli %scan3A_551, %mul3A_598 : i32
      %add3A_600 = arith.constant 7168 : i32
      %add3A_601 = arith.addi %add3A_600, %mul3A_599 : i32
      %get3A_602 = arith.index_cast %add3A_601 : i32 to index
      %get3A_603 = tpu.vector_load %arg9[%get3A_602] {strides = array<i32>} : memref<16384xf32, #tpu.memory_space<vmem>>, vector<16xf32>,
      %add3A_604 = arith.addf %add3A_597, %get3A_603 : vector<16xf32>
      %mul3A_605 = arith.constant 16 : i32
      %mul3A_606 = arith.muli %scan3A_551, %mul3A_605 : i32
      %add3A_607 = arith.constant 8192 : i32
      %add3A_608 = arith.addi %add3A_607, %mul3A_606 : i32
      %get3A_609 = arith.index_cast %add3A_608 : i32 to index
      %get3A_610 = tpu.vector_load %arg9[%get3A_609] {strides = array<i32>} : memref<16384xf32, #tpu.memory_space<vmem>>, vector<16xf32>,
      %add3A_611 = arith.addf %add3A_604, %get3A_610 : vector<16xf32>
      %mul3A_612 = arith.constant 16 : i32
      %mul3A_613 = arith.muli %scan3A_551, %mul3A_612 : i32
      %add3A_614 = arith.constant 9216 : i32
      %add3A_615 = arith.addi %add3A_614, %mul3A_613 : i32
      %get3A_616 = arith.index_cast %add3A_615 : i32 to index
      %get3A_617 = tpu.vector_load %arg9[%get3A_616] {strides = array<i32>} : memref<16384xf32, #tpu.memory_space<vmem>>, vector<16xf32>,
      %add3A_618 = arith.addf %add3A_611, %get3A_617 : vector<16xf32>
      %mul3A_619 = arith.constant 16 : i32
      %mul3A_620 = arith.muli %scan3A_551, %mul3A_619 : i32
      %add3A_621 = arith.constant 10240 : i32
      %add3A_622 = arith.addi %add3A_621, %mul3A_620 : i32
      %get3A_623 = arith.index_cast %add3A_622 : i32 to index
      %get3A_624 = tpu.vector_load %arg9[%get3A_623] {strides = array<i32>} : memref<16384xf32, #tpu.memory_space<vmem>>, vector<16xf32>,
      %add3A_625 = arith.addf %add3A_618, %get3A_624 : vector<16xf32>
      %mul3A_626 = arith.constant 16 : i32
      %mul3A_627 = arith.muli %scan3A_551, %mul3A_626 : i32
      %add3A_628 = arith.constant 11264 : i32
      %add3A_629 = arith.addi %add3A_628, %mul3A_627 : i32
      %get3A_630 = arith.index_cast %add3A_629 : i32 to index
      %get3A_631 = tpu.vector_load %arg9[%get3A_630] {strides = array<i32>} : memref<16384xf32, #tpu.memory_space<vmem>>, vector<16xf32>,
      %add3A_632 = arith.addf %add3A_625, %get3A_631 : vector<16xf32>
      %mul3A_633 = arith.constant 16 : i32
      %mul3A_634 = arith.muli %scan3A_551, %mul3A_633 : i32
      %add3A_635 = arith.constant 12288 : i32
      %add3A_636 = arith.addi %add3A_635, %mul3A_634 : i32
      %get3A_637 = arith.index_cast %add3A_636 : i32 to index
      %get3A_638 = tpu.vector_load %arg9[%get3A_637] {strides = array<i32>} : memref<16384xf32, #tpu.memory_space<vmem>>, vector<16xf32>,
      %add3A_639 = arith.addf %add3A_632, %get3A_638 : vector<16xf32>
      %mul3A_640 = arith.constant 16 : i32
      %mul3A_641 = arith.muli %scan3A_551, %mul3A_640 : i32
      %add3A_642 = arith.constant 13312 : i32
      %add3A_643 = arith.addi %add3A_642, %mul3A_641 : i32
      %get3A_644 = arith.index_cast %add3A_643 : i32 to index
      %get3A_645 = tpu.vector_load %arg9[%get3A_644] {strides = array<i32>} : memref<16384xf32, #tpu.memory_space<vmem>>, vector<16xf32>,
      %add3A_646 = arith.addf %add3A_639, %get3A_645 : vector<16xf32>
      %mul3A_647 = arith.constant 16 : i32
      %mul3A_648 = arith.muli %scan3A_551, %mul3A_647 : i32
      %add3A_649 = arith.constant 14336 : i32
      %add3A_650 = arith.addi %add3A_649, %mul3A_648 : i32
      %get3A_651 = arith.index_cast %add3A_650 : i32 to index
      %get3A_652 = tpu.vector_load %arg9[%get3A_651] {strides = array<i32>} : memref<16384xf32, #tpu.memory_space<vmem>>, vector<16xf32>,
      %add3A_653 = arith.addf %add3A_646, %get3A_652 : vector<16xf32>
      %mul3A_654 = arith.constant 16 : i32
      %mul3A_655 = arith.muli %scan3A_551, %mul3A_654 : i32
      %add3A_656 = arith.constant 15360 : i32
      %add3A_657 = arith.addi %add3A_656, %mul3A_655 : i32
      %get3A_658 = arith.index_cast %add3A_657 : i32 to index
      %get3A_659 = tpu.vector_load %arg9[%get3A_658] {strides = array<i32>} : memref<16384xf32, #tpu.memory_space<vmem>>, vector<16xf32>,
      %add3A_660 = arith.addf %add3A_653, %get3A_659 : vector<16xf32>
      %mul3A_661 = arith.constant 16 : i32
      %mul3A_662 = arith.muli %scan3A_551, %mul3A_661 : i32
      %swap3A = arith.index_cast %mul3A_662 : i32 to index
      %swap3A_663 = tpu.vector_load %arg10[%swap3A] {strides = array<i32>} : memref<1024xf32, #tpu.memory_space<vmem>>, vector<16xf32>,
      tpu.vector_store %arg10[%swap3A], %add3A_660 {strides = array<i32>} : memref<1024xf32, #tpu.memory_space<vmem>>, vector<16xf32>,
    }
    %scan3A_457 = arith.constant 64 : i32
    %mul3A_458 = arith.constant 1024 : i32
    %mul3A_459 = arith.muli %add3A, %mul3A_458 : i32
    "tpu.region"() ({
      %run_scoped3A = tpu.sem_alloc : memref<!tpu.dma_semaphore, #tpu.memory_space<semaphore_mem>>
      %dma_start3A_551 = tpu.memref_slice %arg6[%mul3A_459] : memref<32768xf32, #tpu.memory_space<hbm>> -> memref<1024xf32, #tpu.memory_space<hbm>>
      %dma_start3A_552 = tpu.memref_slice %arg6[%mul3A_459] : memref<32768xf32, #tpu.memory_space<hbm>> -> memref<1024xf32, #tpu.memory_space<hbm>>
      tpu.enqueue_dma source(%arg10 : memref<1024xf32, #tpu.memory_space<vmem>>) target(%dma_start3A_552 : memref<1024xf32, #tpu.memory_space<hbm>>) target_semaphore(%run_scoped3A : memref<!tpu.dma_semaphore, #tpu.memory_space<semaphore_mem>>)
      %dma_wait3A_553 = tpu.memref_slice %arg6[%mul3A_459] : memref<32768xf32, #tpu.memory_space<hbm>> -> memref<1024xf32, #tpu.memory_space<hbm>>
      %dma_wait3A_554 = tpu.memref_slice %arg6[%mul3A_459] : memref<32768xf32, #tpu.memory_space<hbm>> -> memref<1024xf32, #tpu.memory_space<hbm>>
      tpu.wait_dma2 semaphore(%run_scoped3A : memref<!tpu.dma_semaphore, #tpu.memory_space<semaphore_mem>>) src(%arg10 : memref<1024xf32, #tpu.memory_space<vmem>>) dst(%dma_wait3A_554 : memref<1024xf32, #tpu.memory_space<hbm>>)
      tpu.yield
    }) : () -> ()
    %dma_wait3A = arith.constant 0 : i32
    %dma_wait3A_460 = arith.constant 0 : i32
    %dma_wait3A_461 = arith.constant 0 : i32
    %dma_wait3A_462 = tpu.memref_slice %arg8[%dma_wait3A_460, %dma_wait3A_461] : memref<1152x64xf32, #tpu.memory_space<vmem>> -> memref<128x64xf32, #tpu.memory_space<vmem>>
    %dma_wait3A_463 = arith.constant 0 : i32
    %dma_wait3A_464 = tpu.memref_slice %arg7[%dma_wait3A, %dma_wait3A_463] : memref<9x128xi32, #tpu.memory_space<vmem>> -> memref<1x128xi32, #tpu.memory_space<vmem>>
    %dma_wait3A_465 = tpu.memref_squeeze %dma_wait3A_464 : memref<1x128xi32, #tpu.memory_space<vmem>> -> memref<128xi32, #tpu.memory_space<vmem>>
    %dma_wait3A_466 = arith.constant 0 : i32
    %dma_wait3A_467 = arith.constant 0 : i32
    %dma_wait3A_468 = tpu.memref_slice %arg2[%dma_wait3A_466, %dma_wait3A_467] : memref<1024x64xf32, #tpu.memory_space<hbm>> -> memref<1024x64xf32, #tpu.memory_space<hbm>>
    tpu.wait_indirect_dma semaphore(%arg11 : memref<!tpu.dma_semaphore, #tpu.memory_space<semaphore_mem>>) src(%dma_wait3A_468 : memref<1024x64xf32, #tpu.memory_space<hbm>>) dst(%dma_wait3A_462 : memref<128x64xf32, #tpu.memory_space<vmem>>)
    %dma_wait3A_469 = arith.constant 1 : i32
    %dma_wait3A_470 = arith.constant 128 : i32
    %dma_wait3A_471 = arith.constant 0 : i32
    %dma_wait3A_472 = tpu.memref_slice %arg8[%dma_wait3A_470, %dma_wait3A_471] : memref<1152x64xf32, #tpu.memory_space<vmem>> -> memref<128x64xf32, #tpu.memory_space<vmem>>
    %dma_wait3A_473 = arith.constant 0 : i32
    %dma_wait3A_474 = tpu.memref_slice %arg7[%dma_wait3A_469, %dma_wait3A_473] : memref<9x128xi32, #tpu.memory_space<vmem>> -> memref<1x128xi32, #tpu.memory_space<vmem>>
    %dma_wait3A_475 = tpu.memref_squeeze %dma_wait3A_474 : memref<1x128xi32, #tpu.memory_space<vmem>> -> memref<128xi32, #tpu.memory_space<vmem>>
    %dma_wait3A_476 = arith.constant 0 : i32
    %dma_wait3A_477 = arith.constant 0 : i32
    %dma_wait3A_478 = tpu.memref_slice %arg2[%dma_wait3A_476, %dma_wait3A_477] : memref<1024x64xf32, #tpu.memory_space<hbm>> -> memref<1024x64xf32, #tpu.memory_space<hbm>>
    tpu.wait_indirect_dma semaphore(%arg11 : memref<!tpu.dma_semaphore, #tpu.memory_space<semaphore_mem>>) src(%dma_wait3A_478 : memref<1024x64xf32, #tpu.memory_space<hbm>>) dst(%dma_wait3A_472 : memref<128x64xf32, #tpu.memory_space<vmem>>)
    %dma_wait3A_479 = arith.constant 2 : i32
    %dma_wait3A_480 = arith.constant 256 : i32
    %dma_wait3A_481 = arith.constant 0 : i32
    %dma_wait3A_482 = tpu.memref_slice %arg8[%dma_wait3A_480, %dma_wait3A_481] : memref<1152x64xf32, #tpu.memory_space<vmem>> -> memref<128x64xf32, #tpu.memory_space<vmem>>
    %dma_wait3A_483 = arith.constant 0 : i32
    %dma_wait3A_484 = tpu.memref_slice %arg7[%dma_wait3A_479, %dma_wait3A_483] : memref<9x128xi32, #tpu.memory_space<vmem>> -> memref<1x128xi32, #tpu.memory_space<vmem>>
    %dma_wait3A_485 = tpu.memref_squeeze %dma_wait3A_484 : memref<1x128xi32, #tpu.memory_space<vmem>> -> memref<128xi32, #tpu.memory_space<vmem>>
    %dma_wait3A_486 = arith.constant 0 : i32
    %dma_wait3A_487 = arith.constant 0 : i32
    %dma_wait3A_488 = tpu.memref_slice %arg2[%dma_wait3A_486, %dma_wait3A_487] : memref<1024x64xf32, #tpu.memory_space<hbm>> -> memref<1024x64xf32, #tpu.memory_space<hbm>>
    tpu.wait_indirect_dma semaphore(%arg11 : memref<!tpu.dma_semaphore, #tpu.memory_space<semaphore_mem>>) src(%dma_wait3A_488 : memref<1024x64xf32, #tpu.memory_space<hbm>>) dst(%dma_wait3A_482 : memref<128x64xf32, #tpu.memory_space<vmem>>)
    %dma_wait3A_489 = arith.constant 3 : i32
    %dma_wait3A_490 = arith.constant 384 : i32
    %dma_wait3A_491 = arith.constant 0 : i32
    %dma_wait3A_492 = tpu.memref_slice %arg8[%dma_wait3A_490, %dma_wait3A_491] : memref<1152x64xf32, #tpu.memory_space<vmem>> -> memref<128x64xf32, #tpu.memory_space<vmem>>
    %dma_wait3A_493 = arith.constant 0 : i32
    %dma_wait3A_494 = tpu.memref_slice %arg7[%dma_wait3A_489, %dma_wait3A_493] : memref<9x128xi32, #tpu.memory_space<vmem>> -> memref<1x128xi32, #tpu.memory_space<vmem>>
    %dma_wait3A_495 = tpu.memref_squeeze %dma_wait3A_494 : memref<1x128xi32, #tpu.memory_space<vmem>> -> memref<128xi32, #tpu.memory_space<vmem>>
    %dma_wait3A_496 = arith.constant 0 : i32
    %dma_wait3A_497 = arith.constant 0 : i32
    %dma_wait3A_498 = tpu.memref_slice %arg2[%dma_wait3A_496, %dma_wait3A_497] : memref<1024x64xf32, #tpu.memory_space<hbm>> -> memref<1024x64xf32, #tpu.memory_space<hbm>>
    tpu.wait_indirect_dma semaphore(%arg11 : memref<!tpu.dma_semaphore, #tpu.memory_space<semaphore_mem>>) src(%dma_wait3A_498 : memref<1024x64xf32, #tpu.memory_space<hbm>>) dst(%dma_wait3A_492 : memref<128x64xf32, #tpu.memory_space<vmem>>)
    %dma_wait3A_499 = arith.constant 4 : i32
    %dma_wait3A_500 = arith.constant 512 : i32
    %dma_wait3A_501 = arith.constant 0 : i32
    %dma_wait3A_502 = tpu.memref_slice %arg8[%dma_wait3A_500, %dma_wait3A_501] : memref<1152x64xf32, #tpu.memory_space<vmem>> -> memref<128x64xf32, #tpu.memory_space<vmem>>
    %dma_wait3A_503 = arith.constant 0 : i32
    %dma_wait3A_504 = tpu.memref_slice %arg7[%dma_wait3A_499, %dma_wait3A_503] : memref<9x128xi32, #tpu.memory_space<vmem>> -> memref<1x128xi32, #tpu.memory_space<vmem>>
    %dma_wait3A_505 = tpu.memref_squeeze %dma_wait3A_504 : memref<1x128xi32, #tpu.memory_space<vmem>> -> memref<128xi32, #tpu.memory_space<vmem>>
    %dma_wait3A_506 = arith.constant 0 : i32
    %dma_wait3A_507 = arith.constant 0 : i32
    %dma_wait3A_508 = tpu.memref_slice %arg2[%dma_wait3A_506, %dma_wait3A_507] : memref<1024x64xf32, #tpu.memory_space<hbm>> -> memref<1024x64xf32, #tpu.memory_space<hbm>>
    tpu.wait_indirect_dma semaphore(%arg11 : memref<!tpu.dma_semaphore, #tpu.memory_space<semaphore_mem>>) src(%dma_wait3A_508 : memref<1024x64xf32, #tpu.memory_space<hbm>>) dst(%dma_wait3A_502 : memref<128x64xf32, #tpu.memory_space<vmem>>)
    %dma_wait3A_509 = arith.constant 5 : i32
    %dma_wait3A_510 = arith.constant 640 : i32
    %dma_wait3A_511 = arith.constant 0 : i32
    %dma_wait3A_512 = tpu.memref_slice %arg8[%dma_wait3A_510, %dma_wait3A_511] : memref<1152x64xf32, #tpu.memory_space<vmem>> -> memref<128x64xf32, #tpu.memory_space<vmem>>
    %dma_wait3A_513 = arith.constant 0 : i32
    %dma_wait3A_514 = tpu.memref_slice %arg7[%dma_wait3A_509, %dma_wait3A_513] : memref<9x128xi32, #tpu.memory_space<vmem>> -> memref<1x128xi32, #tpu.memory_space<vmem>>
    %dma_wait3A_515 = tpu.memref_squeeze %dma_wait3A_514 : memref<1x128xi32, #tpu.memory_space<vmem>> -> memref<128xi32, #tpu.memory_space<vmem>>
    %dma_wait3A_516 = arith.constant 0 : i32
    %dma_wait3A_517 = arith.constant 0 : i32
    %dma_wait3A_518 = tpu.memref_slice %arg2[%dma_wait3A_516, %dma_wait3A_517] : memref<1024x64xf32, #tpu.memory_space<hbm>> -> memref<1024x64xf32, #tpu.memory_space<hbm>>
    tpu.wait_indirect_dma semaphore(%arg11 : memref<!tpu.dma_semaphore, #tpu.memory_space<semaphore_mem>>) src(%dma_wait3A_518 : memref<1024x64xf32, #tpu.memory_space<hbm>>) dst(%dma_wait3A_512 : memref<128x64xf32, #tpu.memory_space<vmem>>)
    %dma_wait3A_519 = arith.constant 6 : i32
    %dma_wait3A_520 = arith.constant 768 : i32
    %dma_wait3A_521 = arith.constant 0 : i32
    %dma_wait3A_522 = tpu.memref_slice %arg8[%dma_wait3A_520, %dma_wait3A_521] : memref<1152x64xf32, #tpu.memory_space<vmem>> -> memref<128x64xf32, #tpu.memory_space<vmem>>
    %dma_wait3A_523 = arith.constant 0 : i32
    %dma_wait3A_524 = tpu.memref_slice %arg7[%dma_wait3A_519, %dma_wait3A_523] : memref<9x128xi32, #tpu.memory_space<vmem>> -> memref<1x128xi32, #tpu.memory_space<vmem>>
    %dma_wait3A_525 = tpu.memref_squeeze %dma_wait3A_524 : memref<1x128xi32, #tpu.memory_space<vmem>> -> memref<128xi32, #tpu.memory_space<vmem>>
    %dma_wait3A_526 = arith.constant 0 : i32
    %dma_wait3A_527 = arith.constant 0 : i32
    %dma_wait3A_528 = tpu.memref_slice %arg2[%dma_wait3A_526, %dma_wait3A_527] : memref<1024x64xf32, #tpu.memory_space<hbm>> -> memref<1024x64xf32, #tpu.memory_space<hbm>>
    tpu.wait_indirect_dma semaphore(%arg11 : memref<!tpu.dma_semaphore, #tpu.memory_space<semaphore_mem>>) src(%dma_wait3A_528 : memref<1024x64xf32, #tpu.memory_space<hbm>>) dst(%dma_wait3A_522 : memref<128x64xf32, #tpu.memory_space<vmem>>)
    %dma_wait3A_529 = arith.constant 7 : i32
    %dma_wait3A_530 = arith.constant 896 : i32
    %dma_wait3A_531 = arith.constant 0 : i32
    %dma_wait3A_532 = tpu.memref_slice %arg8[%dma_wait3A_530, %dma_wait3A_531] : memref<1152x64xf32, #tpu.memory_space<vmem>> -> memref<128x64xf32, #tpu.memory_space<vmem>>
    %dma_wait3A_533 = arith.constant 0 : i32
    %dma_wait3A_534 = tpu.memref_slice %arg7[%dma_wait3A_529, %dma_wait3A_533] : memref<9x128xi32, #tpu.memory_space<vmem>> -> memref<1x128xi32, #tpu.memory_space<vmem>>
    %dma_wait3A_535 = tpu.memref_squeeze %dma_wait3A_534 : memref<1x128xi32, #tpu.memory_space<vmem>> -> memref<128xi32, #tpu.memory_space<vmem>>
    %dma_wait3A_536 = arith.constant 0 : i32
    %dma_wait3A_537 = arith.constant 0 : i32
    %dma_wait3A_538 = tpu.memref_slice %arg2[%dma_wait3A_536, %dma_wait3A_537] : memref<1024x64xf32, #tpu.memory_space<hbm>> -> memref<1024x64xf32, #tpu.memory_space<hbm>>
    tpu.wait_indirect_dma semaphore(%arg11 : memref<!tpu.dma_semaphore, #tpu.memory_space<semaphore_mem>>) src(%dma_wait3A_538 : memref<1024x64xf32, #tpu.memory_space<hbm>>) dst(%dma_wait3A_532 : memref<128x64xf32, #tpu.memory_space<vmem>>)
    %dma_wait3A_539 = arith.constant 8 : i32
    %dma_wait3A_540 = arith.constant 1024 : i32
    %dma_wait3A_541 = arith.constant 0 : i32
    %dma_wait3A_542 = tpu.memref_slice %arg8[%dma_wait3A_540, %dma_wait3A_541] : memref<1152x64xf32, #tpu.memory_space<vmem>> -> memref<128x64xf32, #tpu.memory_space<vmem>>
    %dma_wait3A_543 = arith.constant 0 : i32
    %dma_wait3A_544 = tpu.memref_slice %arg7[%dma_wait3A_539, %dma_wait3A_543] : memref<9x128xi32, #tpu.memory_space<vmem>> -> memref<1x128xi32, #tpu.memory_space<vmem>>
    %dma_wait3A_545 = tpu.memref_squeeze %dma_wait3A_544 : memref<1x128xi32, #tpu.memory_space<vmem>> -> memref<128xi32, #tpu.memory_space<vmem>>
    %dma_wait3A_546 = arith.constant 0 : i32
    %dma_wait3A_547 = arith.constant 0 : i32
    %dma_wait3A_548 = tpu.memref_slice %arg2[%dma_wait3A_546, %dma_wait3A_547] : memref<1024x64xf32, #tpu.memory_space<hbm>> -> memref<1024x64xf32, #tpu.memory_space<hbm>>
    tpu.wait_indirect_dma semaphore(%arg11 : memref<!tpu.dma_semaphore, #tpu.memory_space<semaphore_mem>>) src(%dma_wait3A_548 : memref<1024x64xf32, #tpu.memory_space<hbm>>) dst(%dma_wait3A_542 : memref<128x64xf32, #tpu.memory_space<vmem>>)
    %mul3A_549 = arith.constant 1152 : i32
    %mul3A_550 = arith.muli %add3A, %mul3A_549 : i32
    "tpu.region"() ({
      %run_scoped3A = tpu.sem_alloc : memref<!tpu.dma_semaphore, #tpu.memory_space<semaphore_mem>>
      %dma_start3A_551 = arith.constant 0 : i32
      %dma_start3A_552 = tpu.memref_slice %arg5[%mul3A_550, %dma_start3A_551] : memref<36864x64xf32, #tpu.memory_space<hbm>> -> memref<1152x64xf32, #tpu.memory_space<hbm>>
      %dma_start3A_553 = arith.constant 0 : i32
      %dma_start3A_554 = tpu.memref_slice %arg5[%mul3A_550, %dma_start3A_553] : memref<36864x64xf32, #tpu.memory_space<hbm>> -> memref<1152x64xf32, #tpu.memory_space<hbm>>
      tpu.enqueue_dma source(%arg8 : memref<1152x64xf32, #tpu.memory_space<vmem>>) target(%dma_start3A_554 : memref<1152x64xf32, #tpu.memory_space<hbm>>) target_semaphore(%run_scoped3A : memref<!tpu.dma_semaphore, #tpu.memory_space<semaphore_mem>>)
      %dma_wait3A_555 = arith.constant 0 : i32
      %dma_wait3A_556 = tpu.memref_slice %arg5[%mul3A_550, %dma_wait3A_555] : memref<36864x64xf32, #tpu.memory_space<hbm>> -> memref<1152x64xf32, #tpu.memory_space<hbm>>
      %dma_wait3A_557 = arith.constant 0 : i32
      %dma_wait3A_558 = tpu.memref_slice %arg5[%mul3A_550, %dma_wait3A_557] : memref<36864x64xf32, #tpu.memory_space<hbm>> -> memref<1152x64xf32, #tpu.memory_space<hbm>>
      tpu.wait_dma2 semaphore(%run_scoped3A : memref<!tpu.dma_semaphore, #tpu.memory_space<semaphore_mem>>) src(%arg8 : memref<1152x64xf32, #tpu.memory_space<vmem>>) dst(%dma_wait3A_558 : memref<1152x64xf32, #tpu.memory_space<hbm>>)
      tpu.yield
    }) : () -> ()
    return
  }
}

module attributes {stable_mosaic.version = 14 : i64} {
  func.func @_dist_argmin(%arg0: i32, %arg1: memref<3072x64xf32, #tpu.memory_space<vmem>>, %arg2: memref<1024x64xf32, #tpu.memory_space<vmem>>, %arg3: memref<1024x64xf32, #tpu.memory_space<vmem>>, %arg4: memref<1x1x3072xi32, #tpu.memory_space<vmem>>, %arg5: memref<1x1xf32, #tpu.memory_space<vmem>>) attributes {dimension_semantics = [#tpu.dimension_semantics<arbitrary>], iteration_bounds = array<i64: 12>, scalar_prefetch = 0 : i64, scratch_operands = 0 : i64, tpu.core_type = #tpu.core_type<tc>, window_params = [{transform_indices = @transform_0, window_bounds = array<i64: 3072, 64>}, {pipeline_mode = #tpu.pipeline_mode<synchronous>, transform_indices = @transform_1, window_bounds = array<i64: 1024, 64>}, {pipeline_mode = #tpu.pipeline_mode<synchronous>, transform_indices = @transform_2, window_bounds = array<i64: 1024, 64>}, {transform_indices = @transform_3, window_bounds = array<i64: 1, 1, 3072>}, {pipeline_mode = #tpu.pipeline_mode<synchronous>, transform_indices = @transform_4, window_bounds = array<i64: 1, 1>}]} {
    %get3A = arith.constant 0 : index
    %get3A_0 = arith.constant 0 : index
    %get3A_1 = vector.load %arg1[%get3A, %get3A_0] : memref<3072x64xf32, #tpu.memory_space<vmem>>, vector<3072x64xf32>
    %get3A_2 = arith.constant 0 : index
    %get3A_3 = arith.constant 0 : index
    %get3A_4 = vector.load %arg2[%get3A_2, %get3A_3] : memref<1024x64xf32, #tpu.memory_space<vmem>>, vector<1024x64xf32>
    %get3A_5 = arith.constant 0 : index
    %get3A_6 = arith.constant 0 : index
    %get3A_7 = vector.load %arg3[%get3A_5, %get3A_6] : memref<1024x64xf32, #tpu.memory_space<vmem>>, vector<1024x64xf32>
    %dot_general3A = arith.constant dense<0.000000e+00> : vector<1024x3072xf32>
    %dot_general3A_8 = tpu.matmul %get3A_7, %get3A_1, %dot_general3A {dimension_numbers = #tpu.dot_dimension_numbers<[1], [1], [0], [0], [0, 0, 1, 0], [], []>, transpose_lhs_hint = false} : vector<1024x64xf32>, vector<3072x64xf32>, vector<1024x3072xf32> -> vector<1024x3072xf32>
    %mul3A = arith.mulf %get3A_1, %get3A_1 : vector<3072x64xf32>
    %reduce_sum3A = arith.constant dense<0.000000e+00> : vector<3072xf32>
    %reduce_sum3A_9 = vector.multi_reduction <add>, %mul3A, %reduce_sum3A [1] : vector<3072x64xf32> to vector<3072xf32>
    %mul3A_10 = arith.mulf %get3A_4, %get3A_4 : vector<1024x64xf32>
    %reduce_sum3A_11 = arith.constant dense<0.000000e+00> : vector<1024xf32>
    %reduce_sum3A_12 = vector.multi_reduction <add>, %mul3A_10, %reduce_sum3A_11 [1] : vector<1024x64xf32> to vector<1024xf32>
    %broadcast_in_dim3A = vector.shape_cast %reduce_sum3A_12 : vector<1024xf32> to vector<1024x1xf32>
    %broadcast_in_dim3A_13 = vector.shape_cast %reduce_sum3A_9 : vector<3072xf32> to vector<1x3072xf32>
    %add3A = vector.broadcast %broadcast_in_dim3A : vector<1024x1xf32> to vector<1024x3072xf32>
    %add3A_14 = vector.broadcast %broadcast_in_dim3A_13 : vector<1x3072xf32> to vector<1024x3072xf32>
    %add3A_15 = arith.addf %add3A, %add3A_14 : vector<1024x3072xf32>
    %sub3A = arith.subf %add3A_15, %dot_general3A_8 : vector<1024x3072xf32>
    %reduce_min3A = arith.constant dense<0x7F800000> : vector<3072xf32>
    %reduce_min3A_16 = vector.multi_reduction <minimumf>, %sub3A, %reduce_min3A [0] : vector<1024x3072xf32> to vector<3072xf32>
    %broadcast_in_dim3A_17 = vector.shape_cast %reduce_min3A_16 : vector<3072xf32> to vector<1x3072xf32>
    %iota3A = tpu.iota {dimensions = array<i32: 0>} : vector<1024x3072xi32>
    %convert_element_type3A = arith.sitofp %iota3A : vector<1024x3072xi32> to vector<1024x3072xf32>
    %eq3A = vector.broadcast %broadcast_in_dim3A_17 : vector<1x3072xf32> to vector<1024x3072xf32>
    %eq3A_18 = arith.cmpf oeq, %sub3A, %eq3A : vector<1024x3072xf32>
    %jit3A = arith.constant 1.024000e+03 : f32
    %broadcast_in_dim3A_19 = vector.broadcast %jit3A : f32 to vector<1024x3072xf32>
    %select_n3A = arith.select %eq3A_18, %convert_element_type3A, %broadcast_in_dim3A_19 : vector<1024x3072xi1>, vector<1024x3072xf32>
    %reduce_min3A_20 = arith.constant dense<0x7F800000> : vector<3072xf32>
    %reduce_min3A_21 = vector.multi_reduction <minimumf>, %select_n3A, %reduce_min3A_20 [0] : vector<1024x3072xf32> to vector<3072xf32>
    %convert_element_type3A_22 = arith.fptosi %reduce_min3A_21 : vector<3072xf32> to vector<3072xi32>
    %swap3A = arith.constant 0 : index
    %swap3A_23 = arith.constant 0 : index
    %swap3A_24 = arith.constant 0 : index
    %swap3A_25 = vector.load %arg4[%swap3A, %swap3A_23, %swap3A_24] : memref<1x1x3072xi32, #tpu.memory_space<vmem>>, vector<1x1x3072xi32>
    %swap3A_26 = vector.shape_cast %swap3A_25 : vector<1x1x3072xi32> to vector<3072xi32>
    %swap3A_27 = vector.shape_cast %convert_element_type3A_22 : vector<3072xi32> to vector<1x1x3072xi32>
    tpu.vector_store %arg4[%swap3A, %swap3A_23, %swap3A_24], %swap3A_27 {strides = array<i32>} : memref<1x1x3072xi32, #tpu.memory_space<vmem>>, vector<1x1x3072xi32>,
    %reduce_sum3A_28 = vector.shape_cast %broadcast_in_dim3A_17 : vector<1x3072xf32> to vector<1x1x3072xf32>
    %reduce_sum3A_29 = arith.constant dense<0.000000e+00> : vector<1xf32>
    %reduce_sum3A_30 = vector.multi_reduction <add>, %reduce_sum3A_28, %reduce_sum3A_29 [1, 2] : vector<1x1x3072xf32> to vector<1xf32>
    %reduce_sum3A_31 = vector.shape_cast %reduce_sum3A_30 : vector<1xf32> to vector<1x1x1xf32>
    %reduce_sum3A_32 = vector.extract %reduce_sum3A_31[0, 0, 0] : f32 from vector<1x1x1xf32>
    %reshape3A = vector.broadcast %reduce_sum3A_32 : f32 to vector<1x1xf32>
    %eq3A_33 = arith.constant 0 : i32
    %eq3A_34 = arith.cmpi eq, %arg0, %eq3A_33 : i32
    %convert_element_type3A_35 = arith.extui %eq3A_34 : i1 to i32
    %cond3A = arith.constant 0 : i32
    %cond3A_36 = arith.cmpi ne, %convert_element_type3A_35, %cond3A : i32
    scf.if %cond3A_36 {
      %swap3A_41 = arith.constant 0 : index
      %swap3A_42 = arith.constant 0 : index
      %swap3A_43 = vector.load %arg5[%swap3A_41, %swap3A_42] : memref<1x1xf32, #tpu.memory_space<vmem>>, vector<1x1xf32>
      tpu.vector_store %arg5[%swap3A_41, %swap3A_42], %reshape3A {strides = array<i32>} : memref<1x1xf32, #tpu.memory_space<vmem>>, vector<1x1xf32>,
    } else {
    }
    %gt3A = arith.constant 0 : i32
    %gt3A_37 = arith.cmpi sgt, %arg0, %gt3A : i32
    %convert_element_type3A_38 = arith.extui %gt3A_37 : i1 to i32
    %cond3A_39 = arith.constant 0 : i32
    %cond3A_40 = arith.cmpi ne, %convert_element_type3A_38, %cond3A_39 : i32
    scf.if %cond3A_40 {
      %get3A_41 = arith.constant 0 : index
      %get3A_42 = arith.constant 0 : index
      %get3A_43 = vector.load %arg5[%get3A_41, %get3A_42] : memref<1x1xf32, #tpu.memory_space<vmem>>, vector<1x1xf32>
      %add3A_44 = arith.addf %get3A_43, %reshape3A : vector<1x1xf32>
      %swap3A_45 = arith.constant 0 : index
      %swap3A_46 = arith.constant 0 : index
      %swap3A_47 = vector.load %arg5[%swap3A_45, %swap3A_46] : memref<1x1xf32, #tpu.memory_space<vmem>>, vector<1x1xf32>
      tpu.vector_store %arg5[%swap3A_45, %swap3A_46], %add3A_44 {strides = array<i32>} : memref<1x1xf32, #tpu.memory_space<vmem>>, vector<1x1xf32>,
    } else {
    }
    return
  }
  func.func @transform_0(%arg0: i32) -> (i32, i32) {
    %c0_i32 = arith.constant 0 : i32
    %c0_i32_0 = arith.constant 0 : i32
    return %arg0, %c0_i32 : i32, i32
  }
  func.func @transform_1(%arg0: i32) -> (i32, i32) {
    %c0_i32 = arith.constant 0 : i32
    %c0_i32_0 = arith.constant 0 : i32
    %c0_i32_1 = arith.constant 0 : i32
    return %c0_i32, %c0_i32_0 : i32, i32
  }
  func.func @transform_2(%arg0: i32) -> (i32, i32) {
    %c0_i32 = arith.constant 0 : i32
    %c0_i32_0 = arith.constant 0 : i32
    %c0_i32_1 = arith.constant 0 : i32
    return %c0_i32, %c0_i32_0 : i32, i32
  }
  func.func @transform_3(%arg0: i32) -> (i32, i32, i32) {
    %c0_i32 = arith.constant 0 : i32
    %c0_i32_0 = arith.constant 0 : i32
    %c0_i32_1 = arith.constant 0 : i32
    return %arg0, %c0_i32, %c0_i32_0 : i32, i32, i32
  }
  func.func @transform_4(%arg0: i32) -> (i32, i32) {
    %c0_i32 = arith.constant 0 : i32
    %c0_i32_0 = arith.constant 0 : i32
    %c0_i32_1 = arith.constant 0 : i32
    return %c0_i32, %c0_i32_0 : i32, i32
  }
}

</mosaic_0001>

<sc_bundles>
// kernel: kernel.4.cloned.1.call-start
scs
__scs_entry_jumppad:
0x0: {  	(pc) =	sbr.rel $0x88, $3  }
0x1: {  	(tag) =	ssettag $0x0;
	lr =	simm.s32 $0x1  }
0x2: {  	[smem:$0x3F9F] =	sst lr;
	_ =	strace $0xD0000000  }
0x3: {  	_ = 	snop  }
0x4: {  	_ = 	snop  }
0x5: {  	_ = 	snop  }
0x6: {  	_ = 	snop  }
0x7: {  	_ = 	snop  }
__scs_overlays_trampoline_lowered:
0x8: {  	[smem:$0x3FAE] =	sst s0  }
0x9: {  	[smem:$0x3FAF] =	sst s1  }
0xa: {  	[smem:$0x3FB0] =	sst s2  }
0xb: {  	[smem:$0x3FB1] =	sst s3  }
0xc: {  	[smem:$0x3FB2] =	sst s4  }
0xd: {  	[smem:$0x3FB3] =	sst s5  }
0xe: {  	[smem:$0x3FB4] =	sst s6  }
0xf: {  	[smem:$0x3FB5] =	sst s7  }
0x10: {  	[smem:$0x3FB6] =	sst s8  }
0x11: {  	[smem:$0x3FB7] =	sst s9;
	s0 =	simm.s32 @!p0 $0x0  }
0x12: {  	s1 =	sld [smem:$0x3F9D];
	s0 =	simm.s32 @p0 $0x1  }
0x13: {  	[smem:$0x3FB8] =	sst s0;
	s0 =	simm.s32 @!p1 $0x0  }
0x14: {  	s2 =	sld [smem:$0x3F9C];
	s0 =	simm.s32 @p1 $0x1  }
0x15: {  	[smem:$0x3FB9] =	sst s0;
	s0 =	simm.s32 @!p2 $0x0  }
0x16: {  	s3 =	sld [smem:$0x3FDB];
	s0 =	simm.s32 @p2 $0x1  }
0x17: {  	s4 =	simm.s32 $0x1BF5;
	[smem:$0x3FBB] =	sst s0  }
0x18: {  	s0 =	sld [smem:$0x3F9E];
	_ =	swait.ge [sflag:s4], $0x0  }
0x19: {  	s7 =	sld [smem:$0x3F9F]  }
0x1a: {  	s8 =	sadd.s32 $0xFFFFE003, lr  }
0x1b: {  	s9 =	sadd.s32 $0xFFFFFEF7, lr;
	s5 =	simm.s32 $0xFFFFFFFF;
	p2 =	slt.u32 s8, $0xFFFFF086  }
0x1c: {  	p1 =	slt.u32 s9, $0xF7A;
	s5 =	simm.s32 @!p2 $0x0  }
0x1d: {  	s5 =	simm.s32 @p1 $0x1;
	p0 =	seq.s32 s7, s2  }
0x1e: {  	s7 =	smul.u32 @!p0 $0xF7A, s2;
	p2 =	seq.s32 @!p0 s5, $0x0  }
0x1f: {  	s9 =	smul.u32 $0xF7A, s1;
	s8 =	simm.s32 @!p0 $0x1BF5;
	p2 =	por !p2, p0  }
0x20: {  	[sflag:s8] =	ssyncset.s32 @!p0 $0xFFFFF086;
	s6 =	sadd.s32 @!p0 s3, s7;
	s7 =	simm.s32 @!p0 $0x108  }
0x21: {  	s3 =	sadd.s32 s3, s9;
	s6 =	sadd.s32 @!p0 $0x88, s6;
	s7 =	simm.s32 @p2 $0x1082  }
0x22: {  	[simem:s7], [sflag:s8] =	dma.local @!p0 [hbm:s6], $0xF7A  }
0x23: {  	s9 =	sor.u32 $0xD0000000, s2;
	s6 =	simm.s32 $0x108;
	_ =	swait.ge @!p0 [sflag:s8], $0x0  }
0x24: {  	s3 =	sadd.s32 $0x88, s3;
	s6 =	simm.s32 @!p1 $0x1082;
	[sflag:s4] =	ssyncset.s32 $0xFFFFF086  }
0x25: {  	[simem:s6], [sflag:s4] =	dma.local [hbm:s3], $0xF7A  }
0x26: {  	[smem:$0x3F9F] =	sst s1;
	(tag) =	ssettag s2;
	_ =	strace s9  }
0x27: {  	s1 =	sld [smem:$0x3FAF]  }
0x28: {  	s2 =	sld [smem:$0x3FB0]  }
0x29: {  	s4 =	sld [smem:$0x3FB2]  }
0x2a: {  	p0 =	seq.s32 s5, $0x0;
	s5 =	sld [smem:$0x3FB3]  }
0x2b: {  	s6 =	sld [smem:$0x3FB4]  }
0x2c: {  	s7 =	sld [smem:$0x3FB5]  }
0x2d: {  	s3 =	simm.s32 $0x108;
	s8 =	sld [smem:$0x3FB6]  }
0x2e: {  	s3 =	simm.s32 @!p0 $0x1082;
	s9 =	sld [smem:$0x3FB7]  }
0x2f: {  	lr =	sadd.s32 s0, s3;
	s0 =	sld [smem:$0x3FAE]  }
0x30: {  	s3 =	sld [smem:$0x3FB1]  }
0x31: {  	[smem:$0x3FBA] =	sst s10  }
0x32: {  	s10 =	sld [smem:$0x3FB8];
	_ =	sdelay $0x3  }
0x33: {  	p0 =	seq.s32 s10, $0x1;
	s10 =	sld [smem:$0x3FBA];
	_ =	sdelay $0x3  }
0x34: {  	[smem:$0x3FBA] =	sst s10  }
0x35: {  	s10 =	sld [smem:$0x3FB9];
	_ =	sdelay $0x3  }
0x36: {  	p1 =	seq.s32 s10, $0x1;
	s10 =	sld [smem:$0x3FBA];
	_ =	sdelay $0x3  }
0x37: {  	[smem:$0x3FBA] =	sst s10  }
0x38: {  	s10 =	sld [smem:$0x3FBB]  }
0x39: {  	_ = 	snop;
	(pc) =	sbr.ind lr, $3  }
0x3a: {  	_ = 	snop  }
0x3b: {  	_ = 	snop  }
0x3c: {  	p2 =	seq.s32 s10, $0x1;
	s10 =	sld [smem:$0x3FBA]  }
0x3d: {  	_ =	shalt  }
0x3e: {  	_ =	shalt  }
0x3f: {  	_ =	shalt  }
0x40: {  	_ =	shalt  }
0x41: {  	_ =	shalt  }
0x42: {  	_ =	shalt  }
0x43: {  	_ =	shalt  }
0x44: {  	_ =	shalt  }
0x45: {  	_ =	shalt  }
0x46: {  	_ =	shalt  }
0x47: {  	_ =	shalt  }
0x48: {  	_ =	shalt  }
0x49: {  	_ =	shalt  }
0x4a: {  	_ =	shalt  }
0x4b: {  	_ =	shalt  }
0x4c: {  	_ =	shalt  }
0x4d: {  	_ =	shalt  }
0x4e: {  	_ =	shalt  }
0x4f: {  	_ =	shalt  }
0x50: {  	_ =	shalt  }
0x51: {  	_ =	shalt  }
0x52: {  	_ =	shalt  }
0x53: {  	_ =	shalt  }
0x54: {  	_ =	shalt  }
0x55: {  	_ =	shalt  }
0x56: {  	_ =	shalt  }
0x57: {  	_ =	shalt  }
0x58: {  	_ =	shalt  }
0x59: {  	_ =	shalt  }
0x5a: {  	_ =	shalt  }
0x5b: {  	_ =	shalt  }
0x5c: {  	_ =	shalt  }
0x5d: {  	_ =	shalt  }
0x5e: {  	_ =	shalt  }
0x5f: {  	_ =	shalt  }
0x60: {  	_ =	shalt  }
0x61: {  	_ =	shalt  }
0x62: {  	_ =	shalt  }
0x63: {  	_ =	shalt  }
0x64: {  	_ =	shalt  }
0x65: {  	_ =	shalt  }
0x66: {  	_ =	shalt  }
0x67: {  	_ =	shalt  }
0x68: {  	_ =	shalt  }
0x69: {  	_ =	shalt  }
0x6a: {  	_ =	shalt  }
0x6b: {  	_ =	shalt  }
0x6c: {  	_ =	shalt  }
0x6d: {  	_ =	shalt  }
0x6e: {  	_ =	shalt  }
0x6f: {  	_ =	shalt  }
0x70: {  	_ =	shalt  }
0x71: {  	_ =	shalt  }
0x72: {  	_ =	shalt  }
0x73: {  	_ =	shalt  }
0x74: {  	_ =	shalt  }
0x75: {  	_ =	shalt  }
0x76: {  	_ =	shalt  }
0x77: {  	_ =	shalt  }
0x78: {  	_ =	shalt  }
0x79: {  	_ =	shalt  }
0x7a: {  	_ =	shalt  }
0x7b: {  	_ =	shalt  }
0x7c: {  	_ =	shalt  }
0x7d: {  	_ =	shalt  }
0x7e: {  	_ =	shalt  }
0x7f: {  	_ =	shalt  }
0x80: {  	_ =	shalt  }
0x81: {  	_ =	shalt  }
0x82: {  	_ =	shalt  }
0x83: {  	_ =	shalt  }
0x84: {  	_ =	shalt  }
0x85: {  	_ =	shalt  }
0x86: {  	_ =	shalt  }
0x87: {  	_ =	shalt  }
.Lfunc_end0:
.L_simem_size_0:
called_computation_lowered:
.L_overlay_start_0:
0x88: {  	s2 =	sld [smem:$0x3FD9]  }
0x89: {  	s3 =	sld [smem:$0x3FFE];
	_ =	sdelay $0x1  }
0x8a: {  	s1 =	srdreg.scid  }
0x8b: {  	s0 =	sand.u32 $0x1, s1  }
0x8c: {  	s14 =	sshll.u32 s0, $0xA;
	s2 =	sadd.s32 s3, s2  }
0x8d: {  	s2 =	sadd.s32 s2, s14  }
0x8e: {  	[smem:$0x3FC6] =	sst s2  }
0x8f: {  	_ = 	snop  }
0x90: {  	s2 =	sld [smem:$0x3FD0];
	_ =	sdelay $0x2  }
0x91: {  	s15 =	simm.s32 $0xA;
	s4 =	simm.s32 $0x10  }
0x92: {  	[smem:s4], [sflag:s15] =	dma.local [hbm:s2], $0x1  }
0x93: {  	_ =	swait.eq [sflag:s15], $0x1  }
0x94: {  	[sflag:s15] =	ssyncset.done $0x0  }
0x95: {  	[sflag:s15] =	ssyncadd.s32 $0xFFFFFFFF  }
0x96: {  	s16 =	sld [smem:$0x10];
	(tm) =	ssettm $0x1  }
0x97: {  	s17 =	sld [smem:$0x3FFB];
	_ =	sdelay $0x3  }
0x98: {  	_ =	strace s17  }
0x99: {  	s3 =	sld [smem:$0x3FFC];
	_ =	sdelay $0x3  }
0x9a: {  	_ =	strace s3  }
0x9b: {  	s3 =	sld [smem:$0x3FFD];
	_ =	sdelay $0x3  }
0x9c: {  	_ =	strace s3  }
0x9d: {  	_ =	strace $0x8FFFFFFF  }
0x9e: {  	s18 =	sld [smem:$0x3FDB];
	_ =	sdelay $0x1  }
0x9f: {  	s19 =	simm.s32 $_scs_section_size  }
0xa0: {  	s5 =	simm.s32 $_size__tile_overlayer_lowered;
	s6 =	simm.s32 $_tile_overlayer_lowered  }
0xa1: {  	s22 =	simm.s32 $0x1BFF;
	s21 =	sshll.u32 s6, $0x1;
	s3 =	sadd.s32 s19, s18  }
0xa2: {  	s7 =	simm.s32 $0x0;
	s20 =	sshll.u32 s5, $0x1;
	s5 =	sadd.s32 s21, s3  }
0xa3: {  	[timem:s7], [sflag:s22] =	dma.local [hbm:s5], s20  }
0xa4: {  	_ =	swait.ge [sflag:s22], s20  }
0xa5: {  	s4 =	ssub.s32 $0x0, s20;
	[sflag:s22] =	ssyncset.done $0x0  }
0xa6: {  	[sflag:s22] =	ssyncadd.s32 s4;
	_ =	sdelay $0x1  }
0xa7: {  	s23 =	simm.s32 $0x1B8B  }
0xa8: {  	_ =	swait.ge [sflag:s23], $0x1  }
0xa9: {  	[sflag:s23] =	ssyncset.done $0x0  }
0xaa: {  	s25 =	simm.s32 $0x1B8E;
	s24 =	sld [smem:$0x3FFE];
	[sflag:s23] =	ssyncadd.s32 $0xFFFFFFFF  }
0xab: {  	s26 =	simm.s32 $execute0_lowered;
	[smem:$0x3FD2] =	sst s25  }
0xac: {  	s5 =	sshll.u32 s26, $0x1;
	_ =	strace $0x80000046;
	[dreg:$0x1] =	wrdreg $0xFFFFFFFF  }
0xad: {  	s28 =	simm.s32 $_size_execute0_lowered;
	s3 =	sadd.s32 s3, s5;
	[dreg:$0x0] =	wrdreg $0x0  }
0xae: {  	s5 =	sshll.u32 s28, $0x1;
	[dreg:$0x2] =	wrdreg s3  }
0xaf: {  	[dreg:$0x3] =	wrdreg s5  }
0xb0: {  	[dreg:$0x4] =	wrdreg $0xC0  }
0xb1: {  	_ =	task [dreg:s7], $0x5FFFF  }
0xb2: {  	[dreg:$0x1] =	wrdreg $0xFFFFFFFF  }
0xb3: {  	[dreg:$0x0] =	wrdreg $0x60  }
0xb4: {  	[dreg:$0x2] =	wrdreg s24  }
0xb5: {  	[dreg:$0x3] =	wrdreg s16  }
0xb6: {  	[dreg:$0x4] =	wrdreg $0x9  }
0xb7: {  	_ =	task.clear_ibuf [dreg:s7], $0x5FFFF;
	_ =	strace $0x90000046  }
0xb8: {  	s29 =	simm.s32 $0x9;
	_ =	strace $0x80000048  }
0xb9: {  	_ =	swait.ge [sflag:s29], $0x1  }
0xba: {  	[sflag:s29] =	ssyncadd.s32 $0xFFFFFFFF  }
0xbb: {  	_ =	strace $0x90000048  }
0xbc: {  	_ =	sfence  }
0xbd: {  	s30 =	sld [smem:$0x0];
	_ =	sdelay $0x2  }
0xbe: {  	s31 =	sshll.u32 s1, $0xD;
	s1 =	sshrl.u32 s1, $0x2  }
0xbf: {  	s3 =	sand.u32 $0x4000, s31;
	s1 =	sadd.s32 s1, s30  }
0xc0: {  	s0 =	sor.u32 s3, s0;
	s1 =	sshll.u32 s1, $0x11  }
0xc1: {  	s0 =	sor.u32 s1, s0  }
0xc2: {  	s0 =	sadd.s32 $0x8F2B, s0  }
0xc3: {  	[sflag:s0] =	ssyncadd.remote.s32 $0x1  }
0xc4: {  	_ =	sfence.sel $0xFFFF  }
0xc5: {  	[dreg:$0x0] =	wrdreg $0xFFFFFFFF;
	(pc) =	sbr.abs _section_cstart, $3  }
0xc6: {  	[dreg:$0x1] =	wrdreg $0xFFFFFFFF  }
0xc7: {  	_ =	task.clear_ibuf [dreg:s7], $0x2FFFF;
	_ =	strace $0x9FFFFFFF  }
0xc8: {  	(tm) =	ssettm $0x7FFFFFFF  }
0xc9: {  	_ =	shalt  }
tec
execute0_lowered:
.L_overlay_start_1:
0x0: {  	(tag) =	ssettag $0x1  }
0x1: {  	s0 =	srdreg.scid;
	s1 =	rddreg [dreg:$0x0]  }
0x2: {  	s2 =	stileid.u32;
	s7 =	rddreg [dreg:$0x1];
	s10 =	simm.s32 $0x80  }
0x3: {  	s11 =	simm.s32 $0x480;
	s14 =	simm.s32 $0x4480;
	s15 =	simm.s32 $0x180  }
0x4: {  	s16 =	simm.s32 $0x6480;
	s17 =	simm.s32 $0x200;
	s18 =	simm.s32 $0x8480  }
0x5: {  	s19 =	simm.s32 $0x280;
	s20 =	simm.s32 $0xA480;
	s21 =	simm.s32 $0x300  }
0x6: {  	s22 =	simm.s32 $0xC480;
	s23 =	simm.s32 $0x380;
	s24 =	simm.s32 $0xE480  }
0x7: {  	s25 =	simm.s32 $0x400;
	s28 =	simm.s32 $0x12480;
	s29 =	simm.s32 $0x16480  }
0x8: {  	s30 =	simm.s32 $0x1;
	s0 =	sand.u32 $0x1, s0;
	s2 =	sshll.u32 s2, $0x1  }
0x9: {  	s31 =	simm.s32 $0x0;
	s3 =	sadd.s32 $0x200, s1;
	s5 =	sor.u32 s0, s2  }
0xa: {  	s2 =	simm.s32 $0x0;
	s0 =	ssub.s32 $0x2, s0;
	s4 =	smul.u32 $0x90, s5  }
0xb: {  	[smem:$0x7FF] =	sst s2;
	s8 =	sshll.u32 s5, $0x7;
	s26 =	sshrl.u32 s0, $0x1  }
0xc: {  	s9 =	smul.u32 $0x2400, s5;
	_ =	strace $0x80000047;
	s0 =	ssub.s32 s0, s26  }
0xd: {  	s26 =	simm.s32 $0x10480;
	s6 =	sadd.s32 s4, s1;
	s4 =	sadd.s32 $0x3400, s1  }
0xe: {  	v0 =	vlaneseq.u32;
	s1 =	sadd.s32 s8, s1;
	s7 =	sadd.s32 s7, s9;
	s8 =	smax.u32 s0, $0x1  }
0xf: {  	v1 =	vimm.f32 $1.000000000e+00;
	v0 =	vmul.u32 $0x400, v0;
	s9 =	simm.s32 $0x2;
	s5 =	sadd.s32 $0x2200, s6;
	s6 =	sadd.s32 $0x3C00, s1  }
.LBB2_1:
0x10: {  	[tilespmem:s2], [sflag:$0x2] =	stream.linear.gather [hbm4b:s5+s2], $0x480, $0x38;
	[tilespmem:$0x16880] =	vst v63  }
0x11: {  	_ =	swait.ge [sflag:s9], $0x480  }
0x12: {  	[sflag:s9] =	ssyncset.done $0x0  }
0x13: {  	[sflag:s9] =	ssyncadd.s32 $0xFFFFFB80  }
0x14: {  	[tilespmem:s11], [sflag:$0x1] =	stream.indirect.gather [hbm4b:s3+s10], $0x40, s2, s10, $0xb8;
	[tilespmem:$0x16880] =	vst v63  }
0x15: {  	s0 =	simm.s32 $0x2480  }
0x16: {  	[tilespmem:s0], [sflag:$0x1] =	stream.indirect.gather [hbm4b:s3+s10], $0x40, s10, s10, $0xb8;
	[tilespmem:$0x16880] =	vst v63  }
0x17: {  	s13 =	simm.s32 $0x100  }
0x18: {  	[tilespmem:s14], [sflag:$0x1] =	stream.indirect.gather [hbm4b:s3+s10], $0x40, s13, s10, $0xb8;
	[tilespmem:$0x16880] =	vst v63  }
0x19: {  	_ = 	snop  }
0x1a: {  	[tilespmem:s16], [sflag:$0x1] =	stream.indirect.gather [hbm4b:s3+s10], $0x40, s15, s10, $0xb8;
	[tilespmem:$0x16880] =	vst v63  }
0x1b: {  	_ = 	snop  }
0x1c: {  	[tilespmem:s18], [sflag:$0x1] =	stream.indirect.gather [hbm4b:s3+s10], $0x40, s17, s10, $0xb8;
	[tilespmem:$0x16880] =	vst v63  }
0x1d: {  	_ = 	snop  }
0x1e: {  	[tilespmem:s20], [sflag:$0x1] =	stream.indirect.gather [hbm4b:s3+s10], $0x40, s19, s10, $0xb8;
	[tilespmem:$0x16880] =	vst v63  }
0x1f: {  	_ = 	snop  }
0x20: {  	[tilespmem:s22], [sflag:$0x1] =	stream.indirect.gather [hbm4b:s3+s10], $0x40, s21, s10, $0xb8;
	[tilespmem:$0x16880] =	vst v63  }
0x21: {  	_ = 	snop  }
0x22: {  	[tilespmem:s24], [sflag:$0x1] =	stream.indirect.gather [hbm4b:s3+s10], $0x40, s23, s10, $0xb8;
	[tilespmem:$0x16880] =	vst v63  }
0x23: {  	_ = 	snop  }
0x24: {  	[tilespmem:s26], [sflag:$0x1] =	stream.indirect.gather [hbm4b:s3+s10], $0x40, s25, s10, $0xb8;
	[tilespmem:$0x16880] =	vst v63  }
0x25: {  	_ = 	snop  }
0x26: {  	[tilespmem:s28], [sflag:$0x2] =	stream.linear.gather [hbm4b:s4+s2], $0x4000, $0x38;
	[tilespmem:$0x16880] =	vst v63  }
0x27: {  	_ =	swait.ge [sflag:s9], $0x4000  }
0x28: {  	[sflag:s9] =	ssyncset.done $0x0  }
0x29: {  	[sflag:s9] =	ssyncadd.s32 $0xFFFFC000  }
0x2a: {  	v2 =	vld [tilespmem:$0x0];
	_ =	sdelay $0x4  }
0x2b: {  	v2 =	vadd.s32 v0, v2;
	_ =	sdelay $0x4  }
0x2c: {  	[tilespmem:v2+s28+$0x0] =	vst.idx.add.f32.msk $0xffff, v1  }
0x2d: {  	v2 =	vld [tilespmem:$0x10];
	_ =	sdelay $0x4  }
0x2e: {  	v2 =	vadd.s32 v0, v2;
	_ =	sdelay $0x4  }
0x2f: {  	[tilespmem:v2+s28+$0x0] =	vst.idx.add.f32.msk $0xffff, v1  }
0x30: {  	v2 =	vld [tilespmem:$0x20];
	_ =	sdelay $0x4  }
0x31: {  	v2 =	vadd.s32 v0, v2;
	_ =	sdelay $0x4  }
0x32: {  	[tilespmem:v2+s28+$0x0] =	vst.idx.add.f32.msk $0xffff, v1  }
0x33: {  	v2 =	vld [tilespmem:$0x30];
	_ =	sdelay $0x4  }
0x34: {  	v2 =	vadd.s32 v0, v2;
	_ =	sdelay $0x4  }
0x35: {  	[tilespmem:v2+s28+$0x0] =	vst.idx.add.f32.msk $0xffff, v1  }
0x36: {  	v2 =	vld [tilespmem:$0x40];
	_ =	sdelay $0x4  }
0x37: {  	v2 =	vadd.s32 v0, v2;
	_ =	sdelay $0x4  }
0x38: {  	[tilespmem:v2+s28+$0x0] =	vst.idx.add.f32.msk $0xffff, v1  }
0x39: {  	v2 =	vld [tilespmem:$0x50];
	_ =	sdelay $0x4  }
0x3a: {  	v2 =	vadd.s32 v0, v2;
	_ =	sdelay $0x4  }
0x3b: {  	[tilespmem:v2+s28+$0x0] =	vst.idx.add.f32.msk $0xffff, v1  }
0x3c: {  	v2 =	vld [tilespmem:$0x60];
	_ =	sdelay $0x4  }
0x3d: {  	v2 =	vadd.s32 v0, v2;
	_ =	sdelay $0x4  }
0x3e: {  	[tilespmem:v2+s28+$0x0] =	vst.idx.add.f32.msk $0xffff, v1  }
0x3f: {  	v2 =	vld [tilespmem:$0x70];
	_ =	sdelay $0x4  }
0x40: {  	v2 =	vadd.s32 v0, v2;
	_ =	sdelay $0x4  }
0x41: {  	[tilespmem:v2+s28+$0x0] =	vst.idx.add.f32.msk $0xffff, v1  }
0x42: {  	v2 =	vld [tilespmem:$0x80];
	_ =	sdelay $0x4  }
0x43: {  	v2 =	vadd.s32 v0, v2;
	_ =	sdelay $0x4  }
0x44: {  	[tilespmem:v2+s28+$0x0] =	vst.idx.add.f32.msk $0xffff, v1  }
0x45: {  	v2 =	vld [tilespmem:$0x90];
	_ =	sdelay $0x4  }
0x46: {  	v2 =	vadd.s32 v0, v2;
	_ =	sdelay $0x4  }
0x47: {  	[tilespmem:v2+s28+$0x0] =	vst.idx.add.f32.msk $0xffff, v1  }
0x48: {  	v2 =	vld [tilespmem:$0xA0];
	_ =	sdelay $0x4  }
0x49: {  	v2 =	vadd.s32 v0, v2;
	_ =	sdelay $0x4  }
0x4a: {  	[tilespmem:v2+s28+$0x0] =	vst.idx.add.f32.msk $0xffff, v1  }
0x4b: {  	v2 =	vld [tilespmem:$0xB0];
	_ =	sdelay $0x4  }
0x4c: {  	v2 =	vadd.s32 v0, v2;
	_ =	sdelay $0x4  }
0x4d: {  	[tilespmem:v2+s28+$0x0] =	vst.idx.add.f32.msk $0xffff, v1  }
0x4e: {  	v2 =	vld [tilespmem:$0xC0];
	_ =	sdelay $0x4  }
0x4f: {  	v2 =	vadd.s32 v0, v2;
	_ =	sdelay $0x4  }
0x50: {  	[tilespmem:v2+s28+$0x0] =	vst.idx.add.f32.msk $0xffff, v1  }
0x51: {  	v2 =	vld [tilespmem:$0xD0];
	_ =	sdelay $0x4  }
0x52: {  	v2 =	vadd.s32 v0, v2;
	_ =	sdelay $0x4  }
0x53: {  	[tilespmem:v2+s28+$0x0] =	vst.idx.add.f32.msk $0xffff, v1  }
0x54: {  	v2 =	vld [tilespmem:$0xE0];
	_ =	sdelay $0x4  }
0x55: {  	v2 =	vadd.s32 v0, v2;
	_ =	sdelay $0x4  }
0x56: {  	[tilespmem:v2+s28+$0x0] =	vst.idx.add.f32.msk $0xffff, v1  }
0x57: {  	v2 =	vld [tilespmem:$0xF0];
	_ =	sdelay $0x4  }
0x58: {  	v2 =	vadd.s32 v0, v2;
	_ =	sdelay $0x4  }
0x59: {  	[tilespmem:v2+s28+$0x0] =	vst.idx.add.f32.msk $0xffff, v1  }
0x5a: {  	v2 =	vld [tilespmem:$0x100];
	_ =	sdelay $0x4  }
0x5b: {  	v2 =	vadd.s32 v0, v2;
	_ =	sdelay $0x4  }
0x5c: {  	[tilespmem:v2+s28+$0x0] =	vst.idx.add.f32.msk $0xffff, v1  }
0x5d: {  	v2 =	vld [tilespmem:$0x110];
	_ =	sdelay $0x4  }
0x5e: {  	v2 =	vadd.s32 v0, v2;
	_ =	sdelay $0x4  }
0x5f: {  	[tilespmem:v2+s28+$0x0] =	vst.idx.add.f32.msk $0xffff, v1  }
0x60: {  	v2 =	vld [tilespmem:$0x120];
	_ =	sdelay $0x4  }
0x61: {  	v2 =	vadd.s32 v0, v2;
	_ =	sdelay $0x4  }
0x62: {  	[tilespmem:v2+s28+$0x0] =	vst.idx.add.f32.msk $0xffff, v1  }
0x63: {  	v2 =	vld [tilespmem:$0x130];
	_ =	sdelay $0x4  }
0x64: {  	v2 =	vadd.s32 v0, v2;
	_ =	sdelay $0x4  }
0x65: {  	[tilespmem:v2+s28+$0x0] =	vst.idx.add.f32.msk $0xffff, v1  }
0x66: {  	v2 =	vld [tilespmem:$0x140];
	_ =	sdelay $0x4  }
0x67: {  	v2 =	vadd.s32 v0, v2;
	_ =	sdelay $0x4  }
0x68: {  	[tilespmem:v2+s28+$0x0] =	vst.idx.add.f32.msk $0xffff, v1  }
0x69: {  	v2 =	vld [tilespmem:$0x150];
	_ =	sdelay $0x4  }
0x6a: {  	v2 =	vadd.s32 v0, v2;
	_ =	sdelay $0x4  }
0x6b: {  	[tilespmem:v2+s28+$0x0] =	vst.idx.add.f32.msk $0xffff, v1  }
0x6c: {  	v2 =	vld [tilespmem:$0x160];
	_ =	sdelay $0x4  }
0x6d: {  	v2 =	vadd.s32 v0, v2;
	_ =	sdelay $0x4  }
0x6e: {  	[tilespmem:v2+s28+$0x0] =	vst.idx.add.f32.msk $0xffff, v1  }
0x6f: {  	v2 =	vld [tilespmem:$0x170];
	_ =	sdelay $0x4  }
0x70: {  	v2 =	vadd.s32 v0, v2;
	_ =	sdelay $0x4  }
0x71: {  	[tilespmem:v2+s28+$0x0] =	vst.idx.add.f32.msk $0xffff, v1  }
0x72: {  	v2 =	vld [tilespmem:$0x180];
	_ =	sdelay $0x4  }
0x73: {  	v2 =	vadd.s32 v0, v2;
	_ =	sdelay $0x4  }
0x74: {  	[tilespmem:v2+s28+$0x0] =	vst.idx.add.f32.msk $0xffff, v1  }
0x75: {  	v2 =	vld [tilespmem:$0x190];
	_ =	sdelay $0x4  }
0x76: {  	v2 =	vadd.s32 v0, v2;
	_ =	sdelay $0x4  }
0x77: {  	[tilespmem:v2+s28+$0x0] =	vst.idx.add.f32.msk $0xffff, v1  }
0x78: {  	v2 =	vld [tilespmem:$0x1A0];
	_ =	sdelay $0x4  }
0x79: {  	v2 =	vadd.s32 v0, v2;
	_ =	sdelay $0x4  }
0x7a: {  	[tilespmem:v2+s28+$0x0] =	vst.idx.add.f32.msk $0xffff, v1  }
0x7b: {  	v2 =	vld [tilespmem:$0x1B0];
	_ =	sdelay $0x4  }
0x7c: {  	v2 =	vadd.s32 v0, v2;
	_ =	sdelay $0x4  }
0x7d: {  	[tilespmem:v2+s28+$0x0] =	vst.idx.add.f32.msk $0xffff, v1  }
0x7e: {  	v2 =	vld [tilespmem:$0x1C0];
	_ =	sdelay $0x4  }
0x7f: {  	v2 =	vadd.s32 v0, v2;
	_ =	sdelay $0x4  }
0x80: {  	[tilespmem:v2+s28+$0x0] =	vst.idx.add.f32.msk $0xffff, v1  }
0x81: {  	v2 =	vld [tilespmem:$0x1D0];
	_ =	sdelay $0x4  }
0x82: {  	v2 =	vadd.s32 v0, v2;
	_ =	sdelay $0x4  }
0x83: {  	[tilespmem:v2+s28+$0x0] =	vst.idx.add.f32.msk $0xffff, v1  }
0x84: {  	v2 =	vld [tilespmem:$0x1E0];
	_ =	sdelay $0x4  }
0x85: {  	v2 =	vadd.s32 v0, v2;
	_ =	sdelay $0x4  }
0x86: {  	[tilespmem:v2+s28+$0x0] =	vst.idx.add.f32.msk $0xffff, v1  }
0x87: {  	v2 =	vld [tilespmem:$0x1F0];
	_ =	sdelay $0x4  }
0x88: {  	v2 =	vadd.s32 v0, v2;
	_ =	sdelay $0x4  }
0x89: {  	[tilespmem:v2+s28+$0x0] =	vst.idx.add.f32.msk $0xffff, v1  }
0x8a: {  	v2 =	vld [tilespmem:$0x200];
	_ =	sdelay $0x4  }
0x8b: {  	v2 =	vadd.s32 v0, v2;
	_ =	sdelay $0x4  }
0x8c: {  	[tilespmem:v2+s28+$0x0] =	vst.idx.add.f32.msk $0xffff, v1  }
0x8d: {  	v2 =	vld [tilespmem:$0x210];
	_ =	sdelay $0x4  }
0x8e: {  	v2 =	vadd.s32 v0, v2;
	_ =	sdelay $0x4  }
0x8f: {  	[tilespmem:v2+s28+$0x0] =	vst.idx.add.f32.msk $0xffff, v1  }
0x90: {  	v2 =	vld [tilespmem:$0x220];
	_ =	sdelay $0x4  }
0x91: {  	v2 =	vadd.s32 v0, v2;
	_ =	sdelay $0x4  }
0x92: {  	[tilespmem:v2+s28+$0x0] =	vst.idx.add.f32.msk $0xffff, v1  }
0x93: {  	v2 =	vld [tilespmem:$0x230];
	_ =	sdelay $0x4  }
0x94: {  	v2 =	vadd.s32 v0, v2;
	_ =	sdelay $0x4  }
0x95: {  	[tilespmem:v2+s28+$0x0] =	vst.idx.add.f32.msk $0xffff, v1  }
0x96: {  	v2 =	vld [tilespmem:$0x240];
	_ =	sdelay $0x4  }
0x97: {  	v2 =	vadd.s32 v0, v2;
	_ =	sdelay $0x4  }
0x98: {  	[tilespmem:v2+s28+$0x0] =	vst.idx.add.f32.msk $0xffff, v1  }
0x99: {  	v2 =	vld [tilespmem:$0x250];
	_ =	sdelay $0x4  }
0x9a: {  	v2 =	vadd.s32 v0, v2;
	_ =	sdelay $0x4  }
0x9b: {  	[tilespmem:v2+s28+$0x0] =	vst.idx.add.f32.msk $0xffff, v1  }
0x9c: {  	v2 =	vld [tilespmem:$0x260];
	_ =	sdelay $0x4  }
0x9d: {  	v2 =	vadd.s32 v0, v2;
	_ =	sdelay $0x4  }
0x9e: {  	[tilespmem:v2+s28+$0x0] =	vst.idx.add.f32.msk $0xffff, v1  }
0x9f: {  	v2 =	vld [tilespmem:$0x270];
	_ =	sdelay $0x4  }
0xa0: {  	v2 =	vadd.s32 v0, v2;
	_ =	sdelay $0x4  }
0xa1: {  	[tilespmem:v2+s28+$0x0] =	vst.idx.add.f32.msk $0xffff, v1  }
0xa2: {  	v2 =	vld [tilespmem:$0x280];
	_ =	sdelay $0x4  }
0xa3: {  	v2 =	vadd.s32 v0, v2;
	_ =	sdelay $0x4  }
0xa4: {  	[tilespmem:v2+s28+$0x0] =	vst.idx.add.f32.msk $0xffff, v1  }
0xa5: {  	v2 =	vld [tilespmem:$0x290];
	_ =	sdelay $0x4  }
0xa6: {  	v2 =	vadd.s32 v0, v2;
	_ =	sdelay $0x4  }
0xa7: {  	[tilespmem:v2+s28+$0x0] =	vst.idx.add.f32.msk $0xffff, v1  }
0xa8: {  	v2 =	vld [tilespmem:$0x2A0];
	_ =	sdelay $0x4  }
0xa9: {  	v2 =	vadd.s32 v0, v2;
	_ =	sdelay $0x4  }
0xaa: {  	[tilespmem:v2+s28+$0x0] =	vst.idx.add.f32.msk $0xffff, v1  }
0xab: {  	v2 =	vld [tilespmem:$0x2B0];
	_ =	sdelay $0x4  }
0xac: {  	v2 =	vadd.s32 v0, v2;
	_ =	sdelay $0x4  }
0xad: {  	[tilespmem:v2+s28+$0x0] =	vst.idx.add.f32.msk $0xffff, v1  }
0xae: {  	v2 =	vld [tilespmem:$0x2C0];
	_ =	sdelay $0x4  }
0xaf: {  	v2 =	vadd.s32 v0, v2;
	_ =	sdelay $0x4  }
0xb0: {  	[tilespmem:v2+s28+$0x0] =	vst.idx.add.f32.msk $0xffff, v1  }
0xb1: {  	v2 =	vld [tilespmem:$0x2D0];
	_ =	sdelay $0x4  }
0xb2: {  	v2 =	vadd.s32 v0, v2;
	_ =	sdelay $0x4  }
0xb3: {  	[tilespmem:v2+s28+$0x0] =	vst.idx.add.f32.msk $0xffff, v1  }
0xb4: {  	v2 =	vld [tilespmem:$0x2E0];
	_ =	sdelay $0x4  }
0xb5: {  	v2 =	vadd.s32 v0, v2;
	_ =	sdelay $0x4  }
0xb6: {  	[tilespmem:v2+s28+$0x0] =	vst.idx.add.f32.msk $0xffff, v1  }
0xb7: {  	v2 =	vld [tilespmem:$0x2F0];
	_ =	sdelay $0x4  }
0xb8: {  	v2 =	vadd.s32 v0, v2;
	_ =	sdelay $0x4  }
0xb9: {  	[tilespmem:v2+s28+$0x0] =	vst.idx.add.f32.msk $0xffff, v1  }
0xba: {  	v2 =	vld [tilespmem:$0x300];
	_ =	sdelay $0x4  }
0xbb: {  	v2 =	vadd.s32 v0, v2;
	_ =	sdelay $0x4  }
0xbc: {  	[tilespmem:v2+s28+$0x0] =	vst.idx.add.f32.msk $0xffff, v1  }
0xbd: {  	v2 =	vld [tilespmem:$0x310];
	_ =	sdelay $0x4  }
0xbe: {  	v2 =	vadd.s32 v0, v2;
	_ =	sdelay $0x4  }
0xbf: {  	[tilespmem:v2+s28+$0x0] =	vst.idx.add.f32.msk $0xffff, v1  }
0xc0: {  	v2 =	vld [tilespmem:$0x320];
	_ =	sdelay $0x4  }
0xc1: {  	v2 =	vadd.s32 v0, v2;
	_ =	sdelay $0x4  }
0xc2: {  	[tilespmem:v2+s28+$0x0] =	vst.idx.add.f32.msk $0xffff, v1  }
0xc3: {  	v2 =	vld [tilespmem:$0x330];
	_ =	sdelay $0x4  }
0xc4: {  	v2 =	vadd.s32 v0, v2;
	_ =	sdelay $0x4  }
0xc5: {  	[tilespmem:v2+s28+$0x0] =	vst.idx.add.f32.msk $0xffff, v1  }
0xc6: {  	v2 =	vld [tilespmem:$0x340];
	_ =	sdelay $0x4  }
0xc7: {  	v2 =	vadd.s32 v0, v2;
	_ =	sdelay $0x4  }
0xc8: {  	[tilespmem:v2+s28+$0x0] =	vst.idx.add.f32.msk $0xffff, v1  }
0xc9: {  	v2 =	vld [tilespmem:$0x350];
	_ =	sdelay $0x4  }
0xca: {  	v2 =	vadd.s32 v0, v2;
	_ =	sdelay $0x4  }
0xcb: {  	[tilespmem:v2+s28+$0x0] =	vst.idx.add.f32.msk $0xffff, v1  }
0xcc: {  	v2 =	vld [tilespmem:$0x360];
	_ =	sdelay $0x4  }
0xcd: {  	v2 =	vadd.s32 v0, v2;
	_ =	sdelay $0x4  }
0xce: {  	[tilespmem:v2+s28+$0x0] =	vst.idx.add.f32.msk $0xffff, v1  }
0xcf: {  	v2 =	vld [tilespmem:$0x370];
	_ =	sdelay $0x4  }
0xd0: {  	v2 =	vadd.s32 v0, v2;
	_ =	sdelay $0x4  }
0xd1: {  	[tilespmem:v2+s28+$0x0] =	vst.idx.add.f32.msk $0xffff, v1  }
0xd2: {  	v2 =	vld [tilespmem:$0x380];
	_ =	sdelay $0x4  }
0xd3: {  	v2 =	vadd.s32 v0, v2;
	_ =	sdelay $0x4  }
0xd4: {  	[tilespmem:v2+s28+$0x0] =	vst.idx.add.f32.msk $0xffff, v1  }
0xd5: {  	v2 =	vld [tilespmem:$0x390];
	_ =	sdelay $0x4  }
0xd6: {  	v2 =	vadd.s32 v0, v2;
	_ =	sdelay $0x4  }
0xd7: {  	[tilespmem:v2+s28+$0x0] =	vst.idx.add.f32.msk $0xffff, v1  }
0xd8: {  	v2 =	vld [tilespmem:$0x3A0];
	_ =	sdelay $0x4  }
0xd9: {  	v2 =	vadd.s32 v0, v2;
	_ =	sdelay $0x4  }
0xda: {  	[tilespmem:v2+s28+$0x0] =	vst.idx.add.f32.msk $0xffff, v1  }
0xdb: {  	v2 =	vld [tilespmem:$0x3B0];
	_ =	sdelay $0x4  }
0xdc: {  	v2 =	vadd.s32 v0, v2;
	_ =	sdelay $0x4  }
0xdd: {  	[tilespmem:v2+s28+$0x0] =	vst.idx.add.f32.msk $0xffff, v1  }
0xde: {  	v2 =	vld [tilespmem:$0x3C0];
	_ =	sdelay $0x4  }
0xdf: {  	v2 =	vadd.s32 v0, v2;
	_ =	sdelay $0x4  }
0xe0: {  	[tilespmem:v2+s28+$0x0] =	vst.idx.add.f32.msk $0xffff, v1  }
0xe1: {  	v2 =	vld [tilespmem:$0x3D0];
	_ =	sdelay $0x4  }
0xe2: {  	v2 =	vadd.s32 v0, v2;
	_ =	sdelay $0x4  }
0xe3: {  	[tilespmem:v2+s28+$0x0] =	vst.idx.add.f32.msk $0xffff, v1  }
0xe4: {  	v2 =	vld [tilespmem:$0x3E0];
	_ =	sdelay $0x4  }
0xe5: {  	v2 =	vadd.s32 v0, v2;
	_ =	sdelay $0x4  }
0xe6: {  	[tilespmem:v2+s28+$0x0] =	vst.idx.add.f32.msk $0xffff, v1  }
0xe7: {  	v2 =	vld [tilespmem:$0x3F0];
	_ =	sdelay $0x4  }
0xe8: {  	v2 =	vadd.s32 v0, v2;
	_ =	sdelay $0x4  }
0xe9: {  	[tilespmem:v2+s28+$0x0] =	vst.idx.add.f32.msk $0xffff, v1  }
0xea: {  	v2 =	vld [tilespmem:$0x400];
	_ =	sdelay $0x4  }
0xeb: {  	v2 =	vadd.s32 v0, v2;
	_ =	sdelay $0x4  }
0xec: {  	[tilespmem:v2+s28+$0x0] =	vst.idx.add.f32.msk $0xffff, v1  }
0xed: {  	v2 =	vld [tilespmem:$0x410];
	_ =	sdelay $0x4  }
0xee: {  	v2 =	vadd.s32 v0, v2;
	_ =	sdelay $0x4  }
0xef: {  	[tilespmem:v2+s28+$0x0] =	vst.idx.add.f32.msk $0xffff, v1  }
0xf0: {  	v2 =	vld [tilespmem:$0x420];
	_ =	sdelay $0x4  }
0xf1: {  	v2 =	vadd.s32 v0, v2;
	_ =	sdelay $0x4  }
0xf2: {  	[tilespmem:v2+s28+$0x0] =	vst.idx.add.f32.msk $0xffff, v1  }
0xf3: {  	v2 =	vld [tilespmem:$0x430];
	_ =	sdelay $0x4  }
0xf4: {  	v2 =	vadd.s32 v0, v2;
	_ =	sdelay $0x4  }
0xf5: {  	[tilespmem:v2+s28+$0x0] =	vst.idx.add.f32.msk $0xffff, v1  }
0xf6: {  	v2 =	vld [tilespmem:$0x440];
	_ =	sdelay $0x4  }
0xf7: {  	v2 =	vadd.s32 v0, v2;
	_ =	sdelay $0x4  }
0xf8: {  	[tilespmem:v2+s28+$0x0] =	vst.idx.add.f32.msk $0xffff, v1  }
0xf9: {  	v2 =	vld [tilespmem:$0x450];
	_ =	sdelay $0x4  }
0xfa: {  	v2 =	vadd.s32 v0, v2;
	_ =	sdelay $0x4  }
0xfb: {  	[tilespmem:v2+s28+$0x0] =	vst.idx.add.f32.msk $0xffff, v1  }
0xfc: {  	v2 =	vld [tilespmem:$0x460];
	_ =	sdelay $0x4  }
0xfd: {  	v2 =	vadd.s32 v0, v2;
	_ =	sdelay $0x4  }
0xfe: {  	[tilespmem:v2+s28+$0x0] =	vst.idx.add.f32.msk $0xffff, v1  }
0xff: {  	v2 =	vld [tilespmem:$0x470];
	_ =	sdelay $0x4  }
0x100: {  	v2 =	vadd.s32 v0, v2;
	_ =	sdelay $0x4  }
0x101: {  	s0 =	simm.s32 $0x0;
	[tilespmem:v2+s28+$0x0] =	vst.idx.add.f32.msk $0xffff, v1  }
0x102: {  	v2 =	vld [tilespmem:s0+$0x12480]  }
0x103: {  	v3 =	vld [tilespmem:s0+$0x12880];
	_ =	sdelay $0x1  }
0x104: {  	v4 =	vld [tilespmem:s0+$0x12C80];
	_ =	sdelay $0x1  }
0x105: {  	v5 =	vld [tilespmem:s0+$0x13080]  }
0x106: {  	v2 =	vadd.f32 v3, v2  }
0x107: {  	v3 =	vld [tilespmem:s0+$0x13480]  }
0x108: {  	v2 =	vadd.f32 v4, v2  }
0x109: {  	v4 =	vld [tilespmem:s0+$0x13880]  }
0x10a: {  	v2 =	vadd.f32 v5, v2  }
0x10b: {  	v5 =	vld [tilespmem:s0+$0x13C80]  }
0x10c: {  	v2 =	vadd.f32 v3, v2  }
0x10d: {  	v3 =	vld [tilespmem:s0+$0x14080]  }
0x10e: {  	s1 =	simm.s32 $0x10;
	v6 =	vld [tilespmem:s0+$0x14480];
	v2 =	vadd.f32 v4, v2  }
0x10f: {  	v7 =	vld [tilespmem:s1+$0x12480]  }
0x110: {  	v4 =	vld [tilespmem:s0+$0x14880];
	v2 =	vadd.f32 v5, v2  }
0x111: {  	v5 =	vld [tilespmem:s1+$0x12880]  }
0x112: {  	v8 =	vld [tilespmem:s1+$0x12C80];
	v2 =	vadd.f32 v3, v2  }
0x113: {  	v3 =	vld [tilespmem:s0+$0x14C80]  }
0x114: {  	v9 =	vld [tilespmem:s1+$0x13080];
	v2 =	vadd.f32 v6, v2  }
0x115: {  	v6 =	vld [tilespmem:s0+$0x15080]  }
0x116: {  	v5 =	vadd.f32 v5, v7;
	v7 =	vld [tilespmem:s1+$0x13480];
	v2 =	vadd.f32 v4, v2  }
0x117: {  	v4 =	vld [tilespmem:s0+$0x15480]  }
0x118: {  	v5 =	vadd.f32 v8, v5;
	v8 =	vld [tilespmem:s1+$0x13880];
	v2 =	vadd.f32 v3, v2  }
0x119: {  	v3 =	vld [tilespmem:s0+$0x15880]  }
0x11a: {  	v10 =	vld [tilespmem:s1+$0x13C80];
	v5 =	vadd.f32 v9, v5;
	v2 =	vadd.f32 v6, v2  }
0x11b: {  	v9 =	vld [tilespmem:s0+$0x15C80]  }
0x11c: {  	v6 =	vadd.f32 v7, v5;
	v5 =	vld [tilespmem:s1+$0x14080];
	v7 =	vadd.f32 v4, v2  }
0x11d: {  	v4 =	vld [tilespmem:s0+$0x16080]  }
0x11e: {  	v2 =	vld [tilespmem:s1+$0x14880];
	v8 =	vadd.f32 v8, v6;
	v11 =	vadd.f32 v3, v7  }
0x11f: {  	s12 =	simm.s32 $0x20;
	v6 =	vld [tilespmem:s1+$0x14480]  }
0x120: {  	s13 =	simm.s32 $0xC0;
	v3 =	vld [tilespmem:s12+$0x12480];
	v7 =	vadd.f32 v10, v8;
	v8 =	vadd.f32 v9, v11  }
.LBB2_2:
0x121: {  	p0 =	sne.s32 s13, $0xFC0;
	v9 =	vld [tilespmem:s12+$0x12880]  }
0x122: {  	v5 =	vadd.f32 v5, v7;
	v7 =	vld [tilespmem:s1+$0x14C80];
	v4 =	vadd.f32 v4, v8  }
0x123: {  	v8 =	vld [tilespmem:s12+$0x12C80]  }
0x124: {  	v5 =	vadd.f32 v6, v5;
	v6 =	vld [tilespmem:s1+$0x15080];
	[tilespmem:s0+$0x16480] =	vst v4;
	s0 =	smov.u32 s1;
	s1 =	smov.u32 s12  }
0x125: {  	v4 =	vld [tilespmem:s1+$0x13080]  }
0x126: {  	v3 =	vadd.f32 v9, v3;
	v2 =	vadd.f32 v2, v5;
	v5 =	vld [tilespmem:s0+$0x15480]  }
0x127: {  	v9 =	vld [tilespmem:s1+$0x13480]  }
0x128: {  	v3 =	vadd.f32 v8, v3;
	v2 =	vadd.f32 v7, v2;
	v7 =	vld [tilespmem:s0+$0x15880]  }
0x129: {  	v8 =	vld [tilespmem:s1+$0x13880]  }
0x12a: {  	v3 =	vadd.f32 v4, v3;
	v2 =	vadd.f32 v6, v2;
	v10 =	vld [tilespmem:s0+$0x15C80]  }
0x12b: {  	v11 =	vld [tilespmem:s1+$0x13C80]  }
.Ltmp0:
0x12c: {  	v3 =	vadd.f32 v9, v3;
	v6 =	vadd.f32 v5, v2;
	v4 =	vld [tilespmem:s0+$0x16080];
	(pc) =	sbr.rel @p0 .LBB2_2-.Ltmp0, $4  }
0x12d: {  	v5 =	vld [tilespmem:s1+$0x14080]  }
0x12e: {  	v8 =	vadd.f32 v8, v3;
	v2 =	vld [tilespmem:s1+$0x14880];
	v9 =	vadd.f32 v7, v6  }
0x12f: {  	s12 =	sshra.s32 s13, $0x2;
	v6 =	vld [tilespmem:s1+$0x14480]  }
0x130: {  	s13 =	sadd.s32 $0x40, s13;
	v3 =	vld [tilespmem:s12+$0x12480];
	v7 =	vadd.f32 v11, v8;
	v8 =	vadd.f32 v10, v9  }
0x131: {  	v9 =	vld [tilespmem:s12+$0x12880]  }
0x132: {  	v10 =	vld [tilespmem:s1+$0x14C80];
	v4 =	vadd.f32 v4, v8  }
0x133: {  	v49 =	vld [tilespmem:s12+$0x12C80]  }
0x134: {  	v11 =	vld [tilespmem:s1+$0x15080];
	v5 =	vadd.f32 v5, v7;
	[tilespmem:s0+$0x16480] =	vst v4  }
0x135: {  	v4 =	vld [tilespmem:s12+$0x13080]  }
0x136: {  	v5 =	vadd.f32 v6, v5;
	v3 =	vadd.f32 v9, v3  }
0x137: {  	v50 =	vld [tilespmem:s12+$0x13480]  }
0x138: {  	v51 =	vld [tilespmem:s1+$0x15480];
	v2 =	vadd.f32 v2, v5;
	v3 =	vadd.f32 v49, v3  }
0x139: {  	v52 =	vld [tilespmem:s12+$0x13880]  }
0x13a: {  	v53 =	vld [tilespmem:s1+$0x15880];
	v2 =	vadd.f32 v10, v2;
	v3 =	vadd.f32 v4, v3  }
0x13b: {  	v54 =	vld [tilespmem:s12+$0x13C80]  }
0x13c: {  	v55 =	vld [tilespmem:s1+$0x15C80];
	v2 =	vadd.f32 v11, v2;
	v3 =	vadd.f32 v50, v3  }
0x13d: {  	v56 =	vld [tilespmem:s12+$0x14080]  }
0x13e: {  	v57 =	vld [tilespmem:s1+$0x16080];
	v2 =	vadd.f32 v51, v2;
	v3 =	vadd.f32 v52, v3  }
0x13f: {  	v58 =	vld [tilespmem:s12+$0x14480]  }
0x140: {  	v2 =	vadd.f32 v53, v2;
	v3 =	vadd.f32 v54, v3  }
0x141: {  	v59 =	vld [tilespmem:s12+$0x14880]  }
0x142: {  	v2 =	vadd.f32 v55, v2;
	v3 =	vadd.f32 v56, v3  }
0x143: {  	v60 =	vld [tilespmem:s12+$0x14C80]  }
0x144: {  	v2 =	vadd.f32 v57, v2;
	v3 =	vadd.f32 v58, v3  }
0x145: {  	v61 =	vld [tilespmem:s12+$0x15080]  }
0x146: {  	[tilespmem:s1+$0x16480] =	vst v2;
	v2 =	vadd.f32 v59, v3  }
0x147: {  	v3 =	vld [tilespmem:s12+$0x15480]  }
0x148: {  	v2 =	vadd.f32 v60, v2  }
0x149: {  	v62 =	vld [tilespmem:s12+$0x15880]  }
0x14a: {  	v2 =	vadd.f32 v61, v2  }
0x14b: {  	v63 =	vld [tilespmem:s12+$0x15C80]  }
0x14c: {  	v2 =	vadd.f32 v3, v2  }
0x14d: {  	v3 =	vld [tilespmem:s12+$0x16080]  }
0x14e: {  	v2 =	vadd.f32 v62, v2;
	_ =	sdelay $0x1  }
0x14f: {  	v2 =	vadd.f32 v63, v2;
	_ =	sdelay $0x1  }
0x150: {  	v2 =	vadd.f32 v3, v2;
	_ =	sdelay $0x1  }
0x151: {  	[tilespmem:s12+$0x16480] =	vst v2  }
0x152: {  	[hbm4b:s6+s2] =	stream.linear.scatter [tilespmem:s29], [sflag:$0x2], $0x400, $0x38;
	[tilespmem:$0x16880] =	vst v63  }
0x153: {  	_ =	swait.ge [sflag:s9], $0x400  }
0x154: {  	[sflag:s9] =	ssyncset.done $0x0  }
0x155: {  	[sflag:s9] =	ssyncadd.s32 $0xFFFFFC00  }
0x156: {  	_ =	swait.ge [sflag:s30], $0x2000  }
0x157: {  	[sflag:s30] =	ssyncset.done $0x0  }
0x158: {  	[sflag:s30] =	ssyncadd.s32 $0xFFFFE000  }
0x159: {  	_ =	swait.ge [sflag:s30], $0x2000  }
0x15a: {  	[sflag:s30] =	ssyncset.done $0x0  }
0x15b: {  	[sflag:s30] =	ssyncadd.s32 $0xFFFFE000  }
0x15c: {  	_ =	swait.ge [sflag:s30], $0x2000  }
0x15d: {  	[sflag:s30] =	ssyncset.done $0x0  }
0x15e: {  	[sflag:s30] =	ssyncadd.s32 $0xFFFFE000  }
0x15f: {  	_ =	swait.ge [sflag:s30], $0x2000  }
0x160: {  	[sflag:s30] =	ssyncset.done $0x0  }
0x161: {  	[sflag:s30] =	ssyncadd.s32 $0xFFFFE000  }
0x162: {  	_ =	swait.ge [sflag:s30], $0x2000  }
0x163: {  	[sflag:s30] =	ssyncset.done $0x0  }
0x164: {  	[sflag:s30] =	ssyncadd.s32 $0xFFFFE000  }
0x165: {  	_ =	swait.ge [sflag:s30], $0x2000  }
0x166: {  	[sflag:s30] =	ssyncset.done $0x0  }
0x167: {  	[sflag:s30] =	ssyncadd.s32 $0xFFFFE000  }
0x168: {  	_ =	swait.ge [sflag:s30], $0x2000  }
0x169: {  	[sflag:s30] =	ssyncset.done $0x0  }
0x16a: {  	[sflag:s30] =	ssyncadd.s32 $0xFFFFE000  }
0x16b: {  	_ =	swait.ge [sflag:s30], $0x2000  }
0x16c: {  	[sflag:s30] =	ssyncset.done $0x0  }
0x16d: {  	[sflag:s30] =	ssyncadd.s32 $0xFFFFE000  }
0x16e: {  	s31 =	sadd.s32 $0x1, s31;
	_ =	swait.ge [sflag:s30], $0x2000  }
0x16f: {  	p0 =	sne.s32 s31, s8;
	[sflag:s30] =	ssyncset.done $0x0  }
.Ltmp1:
0x170: {  	[sflag:s30] =	ssyncadd.s32 $0xFFFFE000;
	(pc) =	sbr.rel @p0 .LBB2_1-.Ltmp1, $4  }
0x171: {  	[hbm4b:s7+s2] =	stream.linear.scatter [tilespmem:s11], [sflag:$0x2], $0x12000, $0x38;
	[tilespmem:$0x16880] =	vst v63  }
0x172: {  	_ =	swait.ge [sflag:s9], $0x12000  }
0x173: {  	[sflag:s9] =	ssyncset.done $0x0  }
0x174: {  	[sflag:s9] =	ssyncadd.s32 $0xFFFEE000  }
0x175: {  	_ =	sfence.sel $0x180000  }
0x176: {  	[bflag:$0x0] =	sbarrier.arrive $0xFFFF  }
0x177: {  	_ =	strace $0x90000047  }
0x178: {  	s0 =	stileid.u32;
	[bflag:$0x2] =	sbarrier.arrive $0xFFFF  }
0x179: {  	p0 =	sne.s32 s0, $0x0;
	s0 =	rddreg [dreg:$0x2]  }
0x17a: {  	s0 =	sadd.s32 @!p0 $0x100000, s0  }
0x17b: {  	[sflag:s0] =	ssyncadd.tile.s32 @!p0 $0x1;
	_ =	shalt  }
.Lfunc_end2:
_tile_overlayer_lowered:
.L_overlay_start_2:
0x17c: {  	(tag) =	ssettag $0x2  }
0x17d: {  	s0 =	rddreg [dreg:$0x0];
	s2 =	stileid.u32  }
0x17e: {  	s1 =	rddreg [dreg:$0x1];
	p0 =	sne.s32 s2, $0x0  }
0x17f: {  	s3 =	rddreg [dreg:$0x2];
	[bflag:$0x3] =	sbarrier.arrive $0xFFFF;
	s2 =	simm.s32 @!p0 $0x1C02  }
0x180: {  	[timem:s3], [sflag:s2] =	dma.local @!p0 [hbm:s0], s1  }
0x181: {  	s0 =	simm.s32 @!p0 $0x2  }
0x182: {  	_ =	swait.ge @!p0 [sflag:s0], s1  }
0x183: {  	s1 =	ssub.s32 @!p0 $0x0, s1;
	[sflag:s0] =	ssyncset.done @!p0 $0x0  }
0x184: {  	[sflag:s0] =	ssyncadd.s32 @!p0 s1  }
0x185: {  	[bflag:$0x3] =	sbarrier.arrive $0xFFFF  }
0x186: {  	_ =	shalt  }

</sc_bundles>
